<compile_context>
chip_gen: v7x
topology: tpu7x:2x2x1
jax: 0.10.2.dev20260603
libtpu: 0.0.44.dev20260713+nightly
codegen_flags: <defaults>
</compile_context>

<pallas_src>
import jax
import jax.numpy as jnp
from jax import lax
from jax.experimental import pallas as pl
from jax.experimental.pallas import tpu as pltpu
from jax.experimental.pallas import tpu_sc as plsc

N_NODES = 10000
N_EDGES = 320000
D = 128

NC = 2
NS = 16
NWORK = NC * NS
EDGES_PER_WORKER = N_EDGES // NWORK
BATCH = 112
NB_FULL = EDGES_PER_WORKER // BATCH
TAIL = EDGES_PER_WORKER - NB_FULL * BATCH
RPT_H = 624
H_CHUNKS_LO = (128, 128, 128, 128, 112)
H_CHUNKS_HI = (128, 128, 128, 128, 128)
N_PAD_D = 10240
RPT_D = N_PAD_D // NS

R_BLK = 2000
N_BLKS = N_NODES // R_BLK


def _prep_body(x_ref, w_ref, a1_ref, y_ref, p_ref, cmax_ref):
    pidx = pl.program_id(0)
    blk = pl.program_id(1)

    @pl.when((pidx == 0) & (blk == 0))
    def _():
        cmax_ref[0] = -jnp.inf

    z = jnp.dot(x_ref[...], w_ref[...], preferred_element_type=jnp.float32)
    s1 = jnp.dot(z, a1_ref[...], preferred_element_type=jnp.float32)

    @pl.when(pidx == 0)
    def _():
        cmax_ref[0] = jnp.maximum(cmax_ref[0], jnp.max(s1))

    p = jnp.exp(s1 - cmax_ref[0])
    y_ref[...] = p * z
    p_ref[...] = p


def _prep(x, W, a1):
    return pl.pallas_call(
        _prep_body,
        grid=(2, N_BLKS),
        in_specs=[
            pl.BlockSpec((R_BLK, D), lambda p, i: (i, 0)),
            pl.BlockSpec((D, D), lambda p, i: (0, 0)),
            pl.BlockSpec((D, 1), lambda p, i: (0, 0)),
        ],
        out_specs=[
            pl.BlockSpec((R_BLK, D), lambda p, i: (i, 0)),
            pl.BlockSpec((R_BLK, 1), lambda p, i: (i, 0)),
        ],
        out_shape=[
            jax.ShapeDtypeStruct((N_NODES, D), jnp.float32),
            jax.ShapeDtypeStruct((N_NODES, 1), jnp.float32),
        ],
        scratch_shapes=[pltpu.SMEM((1,), jnp.float32)],
    )(x, W, a1)


def _sc_body(y_hbm, p_hbm, src_hbm, dst_hbm, zrows_hbm, zvec_hbm,
             out_hbm, dout_hbm,
             src_tail, dst_tail, tailbuf,
             pkb0, srcb0, dst0, rows0, pv0, pkb1, srcb1, dst1, rows1, pv1,
             h_sh, d_sh, semP0, semA0, semB0, semC0, semP1, semA1, semB1, semC1):
    c = lax.axis_index("c")
    s = lax.axis_index("s")
    base = (c * NS + s) * EDGES_PER_WORKER


    def h_ranges(fn, chunks):
        r0 = s * RPT_H
        for sz in chunks:
            fn(r0, sz)
            r0 = r0 + sz

    def zero(r0, sz):
        pltpu.sync_copy(zrows_hbm.at[pl.ds(0, sz), :], h_sh.at[pl.ds(r0, sz), :])

    @pl.when(s < NS - 1)
    def _():
        h_ranges(zero, H_CHUNKS_LO)

    @pl.when(s == NS - 1)
    def _():
        h_ranges(zero, H_CHUNKS_HI)

    pltpu.sync_copy(zvec_hbm, d_sh.at[pl.ds(s * RPT_D, RPT_D)])
    plsc.subcore_barrier()

    slots = ((pkb0, srcb0, dst0, rows0, pv0, semP0, semA0, semB0, semC0),
             (pkb1, srcb1, dst1, rows1, pv1, semP1, semA1, semB1, semC1))

    def load_pk(b, slot):
        pkb = slot[0]
        off = base + b * BATCH
        pltpu.async_copy(src_hbm.at[pl.ds(off, BATCH)], pkb.at[pl.ds(0, BATCH)], slot[5])
        pltpu.async_copy(dst_hbm.at[pl.ds(off, BATCH)], pkb.at[pl.ds(BATCH, BATCH)], slot[5])

    def wait_pk(slot):
        pltpu.make_async_copy(src_hbm.at[pl.ds(0, BATCH)], slot[0].at[pl.ds(0, BATCH)], slot[5]).wait()
        pltpu.make_async_copy(src_hbm.at[pl.ds(0, BATCH)], slot[0].at[pl.ds(BATCH, BATCH)], slot[5]).wait()

    def moves(slot):
        pkb, src_buf, dst_buf = slot[0], slot[1], slot[2]
        for g in range(BATCH // 16):
            src_buf[pl.ds(g * 16, 16)] = pkb[pl.ds(g * 16, 16)]
        for g in range(BATCH // 16):
            dst_buf[pl.ds(g * 16, 16)] = pkb[pl.ds(BATCH + g * 16, 16)]

    def fire_gathers(slot):
        pltpu.async_copy(y_hbm.at[slot[1]], slot[3], slot[6])
        pltpu.async_copy(p_hbm.at[slot[1]], slot[4], slot[7])

    def wait_scatter(slot):
        pltpu.make_async_copy(y_hbm.at[pl.ds(0, BATCH), :], slot[3], slot[8]).wait()
        pltpu.make_async_copy(p_hbm.at[pl.ds(0, BATCH)], slot[4], slot[8]).wait()

    def drain(slot):
        pltpu.make_async_copy(y_hbm.at[pl.ds(0, BATCH), :], slot[3], slot[6]).wait()
        pltpu.make_async_copy(p_hbm.at[pl.ds(0, BATCH)], slot[4], slot[7]).wait()
        pltpu.async_copy(slot[3], h_sh.at[slot[2]], slot[8], add=True)
        pltpu.async_copy(slot[4], d_sh.at[slot[2]], slot[8], add=True)

    load_pk(0, slots[0])
    load_pk(1, slots[1])
    wait_pk(slots[0])
    moves(slots[0])
    fire_gathers(slots[0])

    def ring(i, carry):
        for k in range(2):
            b = 2 * i + k
            nxt = slots[(k + 1) % 2]

            @pl.when(b >= 1)
            def _():
                wait_scatter(nxt)

            wait_pk(nxt)
            moves(nxt)
            fire_gathers(nxt)

            @pl.when(b + 2 < NB_FULL)
            def _():
                load_pk(b + 2, slots[k])

            drain(slots[k])
        return carry

    lax.fori_loop(0, NB_FULL // 2, ring, 0)
    wait_scatter(slots[1])
    drain(slots[0])

    toff = base + NB_FULL * BATCH
    pltpu.sync_copy(src_hbm.at[pl.ds(toff, TAIL)], tailbuf.at[pl.ds(0, TAIL)])
    pltpu.sync_copy(dst_hbm.at[pl.ds(toff, TAIL)], tailbuf.at[pl.ds(TAIL, TAIL)])
    for g in range(TAIL // 16):
        src_tail[pl.ds(g * 16, 16)] = tailbuf[pl.ds(g * 16, 16)]
    for g in range(TAIL // 16):
        dst_tail[pl.ds(g * 16, 16)] = tailbuf[pl.ds(TAIL + g * 16, 16)]
    pltpu.async_copy(y_hbm.at[src_tail], rows1.at[pl.ds(0, TAIL), :], semA1)
    pltpu.async_copy(p_hbm.at[src_tail], pv1.at[pl.ds(0, TAIL)], semB1)
    pltpu.make_async_copy(y_hbm.at[pl.ds(0, TAIL), :], rows1.at[pl.ds(0, TAIL), :], semA1).wait()
    pltpu.make_async_copy(p_hbm.at[pl.ds(0, TAIL)], pv1.at[pl.ds(0, TAIL)], semB1).wait()
    pltpu.async_copy(rows1.at[pl.ds(0, TAIL), :], h_sh.at[dst_tail], semC1, add=True)
    pltpu.async_copy(pv1.at[pl.ds(0, TAIL)], d_sh.at[dst_tail], semC1, add=True)

    pltpu.make_async_copy(y_hbm.at[pl.ds(0, TAIL), :], rows1.at[pl.ds(0, TAIL), :], semC1).wait()
    pltpu.make_async_copy(p_hbm.at[pl.ds(0, TAIL)], pv1.at[pl.ds(0, TAIL)], semC1).wait()
    wait_scatter(slots[0])
    plsc.subcore_barrier()

    def wb(r0, sz):
        pltpu.sync_copy(h_sh.at[pl.ds(r0, sz), :], out_hbm.at[c, pl.ds(r0, sz), :])

    @pl.when(s < NS - 1)
    def _():
        h_ranges(wb, H_CHUNKS_LO)

    @pl.when(s == NS - 1)
    def _():
        h_ranges(wb, H_CHUNKS_HI)

    pltpu.sync_copy(d_sh.at[pl.ds(s * RPT_D, RPT_D)], dout_hbm.at[c, pl.ds(s * RPT_D, RPT_D)])


def _sc_scatter(y, p, src, dst):
    mesh = plsc.VectorSubcoreMesh(core_axis_name="c", subcore_axis_name="s")
    zrows = jnp.zeros((128, D), jnp.float32)
    zvec = jnp.zeros((RPT_D,), jnp.float32)
    kern = pl.kernel(
        _sc_body,
        out_type=[
            jax.ShapeDtypeStruct((NC, N_NODES, D), jnp.float32),
            jax.ShapeDtypeStruct((NC, N_PAD_D), jnp.float32),
        ],
        mesh=mesh,
        scratch_types=(
            [
                pltpu.VMEM((TAIL,), jnp.int32),
                pltpu.VMEM((TAIL,), jnp.int32),
                pltpu.VMEM((2 * TAIL,), jnp.int32),
            ]
            + [
                pltpu.VMEM((2 * BATCH,), jnp.int32),
                pltpu.VMEM((BATCH,), jnp.int32),
                pltpu.VMEM((BATCH,), jnp.int32),
                pltpu.VMEM((BATCH, D), jnp.float32),
                pltpu.VMEM((BATCH,), jnp.float32),
            ] * 2
            + [
                pltpu.VMEM_SHARED((N_NODES, D), jnp.float32),
                pltpu.VMEM_SHARED((N_PAD_D,), jnp.float32),
            ]
            + [pltpu.SemaphoreType.DMA] * 8
        ),
    )
    return kern(y, p, src, dst, zrows, zvec)


def _finish_body(hp_ref, dp_ref, out_ref):
    hp = hp_ref[...]
    dp = dp_ref[...]
    tot = hp[0] + hp[1]
    den = dp[0] + dp[1]
    inv = jnp.where(den > 0.0, 1.0 / jnp.where(den > 0.0, den, 1.0), 0.0)
    out_ref[...] = tot * inv


def _finish(h_parts, d_parts):
    return pl.pallas_call(
        _finish_body,
        grid=(N_BLKS,),
        in_specs=[
            pl.BlockSpec((NC, R_BLK, D), lambda i: (0, i, 0)),
            pl.BlockSpec((NC, R_BLK, 1), lambda i: (0, i, 0)),
        ],
        out_specs=pl.BlockSpec((R_BLK, D), lambda i: (i, 0)),
        out_shape=jax.ShapeDtypeStruct((N_NODES, D), jnp.float32),
    )(h_parts, d_parts)


@jax.jit
def kernel(x, edge_index, W, a):
    ei = edge_index.astype(jnp.int32)
    src = ei[0]
    dst = ei[1]
    a1 = a[:D].reshape(D, 1)
    y, p2d = _prep(x, W, a1)
    p = p2d.reshape(N_NODES)
    h_parts, d_parts = _sc_scatter(y, p, src, dst)
    return _finish(h_parts, d_parts[:, :, None])

# --- scband reference (transcript-rebuilt; emitter-appended) ---
"""Pipeline reference for scband-graph-layer-32693291057755 (READ-ONLY COPY).

The authoritative reference and input builder live on the scoring server;
editing this copy changes nothing except your own understanding.
"""

import jax, jax.numpy as jnp
import numpy as np

N_NODES = 10000
N_EDGES = 320000
IN_DIM = 128
OUT_DIM = 128


def setup_inputs(seed: int = 0) -> dict:
    key = jax.random.key(seed)
    k_x, k_e, k_w, k_a = jax.random.split(key, 4)
    x = jax.random.normal(k_x, (N_NODES, IN_DIM), dtype=jnp.float32)
    edge_index = jax.random.randint(k_e, (2, N_EDGES), 0, N_NODES, dtype=jnp.int64)
    # fc: Linear(in_dim, out_dim, bias=False) -> W [in_dim, out_dim]
    W = jax.random.normal(k_w, (IN_DIM, OUT_DIM), dtype=jnp.float32) * (1.0 / np.sqrt(IN_DIM))
    # attn_fc: Linear(2*out_dim, 1, bias=False) -> a [2*out_dim]
    a = jax.random.normal(k_a, (2 * OUT_DIM,), dtype=jnp.float32) * (1.0 / np.sqrt(2 * OUT_DIM))
    return {"x": x, "edge_index": edge_index, "W": W, "a": a}


def reference(x, edge_index, W, a):
    n = x.shape[0]
    src = edge_index[0]
    dst = edge_index[1]
    # z = self.fc(h)
    z = x @ W
    # edge_attention: a = attn_fc(cat([src z, dst z]))
    z_src = jnp.take(z, src, axis=0)
    z_dst = jnp.take(z, dst, axis=0)
    e = jnp.concatenate([z_src, z_dst], axis=1) @ a  # [E]
    # reduce_func: softmax of e over the mailbox of each dst node
    e_max = jax.ops.segment_max(e, dst, num_segments=n)
    e_max = jnp.where(jnp.isfinite(e_max), e_max, 0.0)
    ex = jnp.exp(e - jnp.take(e_max, dst, axis=0))
    denom = jax.ops.segment_sum(ex, dst, num_segments=n)
    alpha = ex / jnp.take(jnp.where(denom > 0, denom, 1.0), dst, axis=0)
    # h = sum(alpha * z_src) over mailbox
    h = jax.ops.segment_sum(alpha[:, None] * z_src, dst, num_segments=n)
    return h

if __name__ == "__main__":
    import jax
    _d = setup_inputs()
    print(jax.jit(kernel)(*tuple(_d.values())))

</pallas_src>

<mosaic_0001>
#map = affine_map<(d0, d1) -> (0, 0)>
#map1 = affine_map<(d0, d1) -> (0)>
#map2 = affine_map<(d0, d1) -> (0, 0, 0)>
module attributes {stable_mosaic.version = 14 : i64} {
  func.func @_sc_body(%arg0: i32, %arg1: i32, %arg2: memref<10000x128xf32, #tpu.memory_space<hbm>>, %arg3: memref<10000xf32, #tpu.memory_space<hbm>>, %arg4: memref<320000xi32, #tpu.memory_space<hbm>>, %arg5: memref<320000xi32, #tpu.memory_space<hbm>>, %arg6: memref<128x128xf32, #tpu.memory_space<hbm>>, %arg7: memref<640xf32, #tpu.memory_space<hbm>>, %arg8: memref<2x10000x128xf32, #tpu.memory_space<hbm>>, %arg9: memref<2x10240xf32, #tpu.memory_space<hbm>>, %arg10: memref<32xi32, #tpu.memory_space<vmem>>, %arg11: memref<32xi32, #tpu.memory_space<vmem>>, %arg12: memref<64xi32, #tpu.memory_space<vmem>>, %arg13: memref<224xi32, #tpu.memory_space<vmem>>, %arg14: memref<112xi32, #tpu.memory_space<vmem>>, %arg15: memref<112xi32, #tpu.memory_space<vmem>>, %arg16: memref<112x128xf32, #tpu.memory_space<vmem>>, %arg17: memref<112xf32, #tpu.memory_space<vmem>>, %arg18: memref<224xi32, #tpu.memory_space<vmem>>, %arg19: memref<112xi32, #tpu.memory_space<vmem>>, %arg20: memref<112xi32, #tpu.memory_space<vmem>>, %arg21: memref<112x128xf32, #tpu.memory_space<vmem>>, %arg22: memref<112xf32, #tpu.memory_space<vmem>>, %arg23: memref<10000x128xf32, #tpu.memory_space<vmem_shared>>, %arg24: memref<10240xf32, #tpu.memory_space<vmem_shared>>, %arg25: memref<!tpu.dma_semaphore, #tpu.memory_space<semaphore_mem>>, %arg26: memref<!tpu.dma_semaphore, #tpu.memory_space<semaphore_mem>>, %arg27: memref<!tpu.dma_semaphore, #tpu.memory_space<semaphore_mem>>, %arg28: memref<!tpu.dma_semaphore, #tpu.memory_space<semaphore_mem>>, %arg29: memref<!tpu.dma_semaphore, #tpu.memory_space<semaphore_mem>>, %arg30: memref<!tpu.dma_semaphore, #tpu.memory_space<semaphore_mem>>, %arg31: memref<!tpu.dma_semaphore, #tpu.memory_space<semaphore_mem>>, %arg32: memref<!tpu.dma_semaphore, #tpu.memory_space<semaphore_mem>>) attributes {dimension_semantics = [#tpu.dimension_semantics<core_parallel>, #tpu.dimension_semantics<subcore_parallel>], iteration_bounds = array<i64: 2, 16>, scalar_prefetch = 0 : i64, scratch_operands = 23 : i64, tpu.core_type = #tpu.core_type<sc_vector_subcore>, window_params = [{transform_indices = #map}, {transform_indices = #map1}, {transform_indices = #map1}, {transform_indices = #map1}, {transform_indices = #map}, {transform_indices = #map1}, {transform_indices = #map2}, {transform_indices = #map}]} {
    %mul3A = arith.constant 16 : i32
    %mul3A_0 = arith.muli %arg0, %mul3A : i32
    %add3A = arith.addi %mul3A_0, %arg1 : i32
    %mul3A_1 = arith.constant 10000 : i32
    %mul3A_2 = arith.muli %add3A, %mul3A_1 : i32
    %lt3A = arith.constant 15 : i32
    %lt3A_3 = arith.cmpi slt, %arg1, %lt3A : i32
    %convert_element_type3A = arith.extui %lt3A_3 : i1 to i32
    %cond3A = arith.constant 0 : i32
    %cond3A_4 = arith.cmpi ne, %convert_element_type3A, %cond3A : i32
    scf.if %cond3A_4 {
      %mul3A_299 = arith.constant 624 : i32
      %mul3A_300 = arith.muli %arg1, %mul3A_299 : i32
      "tpu.region"() ({
        %run_scoped3A = tpu.sem_alloc : memref<!tpu.dma_semaphore, #tpu.memory_space<semaphore_mem>>
        %dma_start3A_311 = arith.constant 0 : i32
        %dma_start3A_312 = tpu.memref_slice %arg23[%mul3A_300, %dma_start3A_311] : memref<10000x128xf32, #tpu.memory_space<vmem_shared>> -> memref<128x128xf32, #tpu.memory_space<vmem_shared>>
        %dma_start3A_313 = arith.constant 0 : i32
        %dma_start3A_314 = arith.constant 0 : i32
        %dma_start3A_315 = tpu.memref_slice %arg6[%dma_start3A_313, %dma_start3A_314] : memref<128x128xf32, #tpu.memory_space<hbm>> -> memref<128x128xf32, #tpu.memory_space<hbm>>
        tpu.enqueue_dma source(%dma_start3A_315 : memref<128x128xf32, #tpu.memory_space<hbm>>) target(%dma_start3A_312 : memref<128x128xf32, #tpu.memory_space<vmem_shared>>) target_semaphore(%run_scoped3A : memref<!tpu.dma_semaphore, #tpu.memory_space<semaphore_mem>>)
        %dma_wait3A_316 = arith.constant 0 : i32
        %dma_wait3A_317 = tpu.memref_slice %arg23[%mul3A_300, %dma_wait3A_316] : memref<10000x128xf32, #tpu.memory_space<vmem_shared>> -> memref<128x128xf32, #tpu.memory_space<vmem_shared>>
        %dma_wait3A_318 = arith.constant 0 : i32
        %dma_wait3A_319 = arith.constant 0 : i32
        %dma_wait3A_320 = tpu.memref_slice %arg6[%dma_wait3A_318, %dma_wait3A_319] : memref<128x128xf32, #tpu.memory_space<hbm>> -> memref<128x128xf32, #tpu.memory_space<hbm>>
        tpu.wait_dma2 semaphore(%run_scoped3A : memref<!tpu.dma_semaphore, #tpu.memory_space<semaphore_mem>>) src(%dma_wait3A_320 : memref<128x128xf32, #tpu.memory_space<hbm>>) dst(%dma_wait3A_317 : memref<128x128xf32, #tpu.memory_space<vmem_shared>>)
        tpu.yield
      }) : () -> ()
      %add3A_301 = arith.constant 128 : i32
      %add3A_302 = arith.addi %mul3A_300, %add3A_301 : i32
      "tpu.region"() ({
        %run_scoped3A = tpu.sem_alloc : memref<!tpu.dma_semaphore, #tpu.memory_space<semaphore_mem>>
        %dma_start3A_311 = arith.constant 0 : i32
        %dma_start3A_312 = tpu.memref_slice %arg23[%add3A_302, %dma_start3A_311] : memref<10000x128xf32, #tpu.memory_space<vmem_shared>> -> memref<128x128xf32, #tpu.memory_space<vmem_shared>>
        %dma_start3A_313 = arith.constant 0 : i32
        %dma_start3A_314 = arith.constant 0 : i32
        %dma_start3A_315 = tpu.memref_slice %arg6[%dma_start3A_313, %dma_start3A_314] : memref<128x128xf32, #tpu.memory_space<hbm>> -> memref<128x128xf32, #tpu.memory_space<hbm>>
        tpu.enqueue_dma source(%dma_start3A_315 : memref<128x128xf32, #tpu.memory_space<hbm>>) target(%dma_start3A_312 : memref<128x128xf32, #tpu.memory_space<vmem_shared>>) target_semaphore(%run_scoped3A : memref<!tpu.dma_semaphore, #tpu.memory_space<semaphore_mem>>)
        %dma_wait3A_316 = arith.constant 0 : i32
        %dma_wait3A_317 = tpu.memref_slice %arg23[%add3A_302, %dma_wait3A_316] : memref<10000x128xf32, #tpu.memory_space<vmem_shared>> -> memref<128x128xf32, #tpu.memory_space<vmem_shared>>
        %dma_wait3A_318 = arith.constant 0 : i32
        %dma_wait3A_319 = arith.constant 0 : i32
        %dma_wait3A_320 = tpu.memref_slice %arg6[%dma_wait3A_318, %dma_wait3A_319] : memref<128x128xf32, #tpu.memory_space<hbm>> -> memref<128x128xf32, #tpu.memory_space<hbm>>
        tpu.wait_dma2 semaphore(%run_scoped3A : memref<!tpu.dma_semaphore, #tpu.memory_space<semaphore_mem>>) src(%dma_wait3A_320 : memref<128x128xf32, #tpu.memory_space<hbm>>) dst(%dma_wait3A_317 : memref<128x128xf32, #tpu.memory_space<vmem_shared>>)
        tpu.yield
      }) : () -> ()
      %add3A_303 = arith.constant 128 : i32
      %add3A_304 = arith.addi %add3A_302, %add3A_303 : i32
      "tpu.region"() ({
        %run_scoped3A = tpu.sem_alloc : memref<!tpu.dma_semaphore, #tpu.memory_space<semaphore_mem>>
        %dma_start3A_311 = arith.constant 0 : i32
        %dma_start3A_312 = tpu.memref_slice %arg23[%add3A_304, %dma_start3A_311] : memref<10000x128xf32, #tpu.memory_space<vmem_shared>> -> memref<128x128xf32, #tpu.memory_space<vmem_shared>>
        %dma_start3A_313 = arith.constant 0 : i32
        %dma_start3A_314 = arith.constant 0 : i32
        %dma_start3A_315 = tpu.memref_slice %arg6[%dma_start3A_313, %dma_start3A_314] : memref<128x128xf32, #tpu.memory_space<hbm>> -> memref<128x128xf32, #tpu.memory_space<hbm>>
        tpu.enqueue_dma source(%dma_start3A_315 : memref<128x128xf32, #tpu.memory_space<hbm>>) target(%dma_start3A_312 : memref<128x128xf32, #tpu.memory_space<vmem_shared>>) target_semaphore(%run_scoped3A : memref<!tpu.dma_semaphore, #tpu.memory_space<semaphore_mem>>)
        %dma_wait3A_316 = arith.constant 0 : i32
        %dma_wait3A_317 = tpu.memref_slice %arg23[%add3A_304, %dma_wait3A_316] : memref<10000x128xf32, #tpu.memory_space<vmem_shared>> -> memref<128x128xf32, #tpu.memory_space<vmem_shared>>
        %dma_wait3A_318 = arith.constant 0 : i32
        %dma_wait3A_319 = arith.constant 0 : i32
        %dma_wait3A_320 = tpu.memref_slice %arg6[%dma_wait3A_318, %dma_wait3A_319] : memref<128x128xf32, #tpu.memory_space<hbm>> -> memref<128x128xf32, #tpu.memory_space<hbm>>
        tpu.wait_dma2 semaphore(%run_scoped3A : memref<!tpu.dma_semaphore, #tpu.memory_space<semaphore_mem>>) src(%dma_wait3A_320 : memref<128x128xf32, #tpu.memory_space<hbm>>) dst(%dma_wait3A_317 : memref<128x128xf32, #tpu.memory_space<vmem_shared>>)
        tpu.yield
      }) : () -> ()
      %add3A_305 = arith.constant 128 : i32
      %add3A_306 = arith.addi %add3A_304, %add3A_305 : i32
      "tpu.region"() ({
        %run_scoped3A = tpu.sem_alloc : memref<!tpu.dma_semaphore, #tpu.memory_space<semaphore_mem>>
        %dma_start3A_311 = arith.constant 0 : i32
        %dma_start3A_312 = tpu.memref_slice %arg23[%add3A_306, %dma_start3A_311] : memref<10000x128xf32, #tpu.memory_space<vmem_shared>> -> memref<128x128xf32, #tpu.memory_space<vmem_shared>>
        %dma_start3A_313 = arith.constant 0 : i32
        %dma_start3A_314 = arith.constant 0 : i32
        %dma_start3A_315 = tpu.memref_slice %arg6[%dma_start3A_313, %dma_start3A_314] : memref<128x128xf32, #tpu.memory_space<hbm>> -> memref<128x128xf32, #tpu.memory_space<hbm>>
        tpu.enqueue_dma source(%dma_start3A_315 : memref<128x128xf32, #tpu.memory_space<hbm>>) target(%dma_start3A_312 : memref<128x128xf32, #tpu.memory_space<vmem_shared>>) target_semaphore(%run_scoped3A : memref<!tpu.dma_semaphore, #tpu.memory_space<semaphore_mem>>)
        %dma_wait3A_316 = arith.constant 0 : i32
        %dma_wait3A_317 = tpu.memref_slice %arg23[%add3A_306, %dma_wait3A_316] : memref<10000x128xf32, #tpu.memory_space<vmem_shared>> -> memref<128x128xf32, #tpu.memory_space<vmem_shared>>
        %dma_wait3A_318 = arith.constant 0 : i32
        %dma_wait3A_319 = arith.constant 0 : i32
        %dma_wait3A_320 = tpu.memref_slice %arg6[%dma_wait3A_318, %dma_wait3A_319] : memref<128x128xf32, #tpu.memory_space<hbm>> -> memref<128x128xf32, #tpu.memory_space<hbm>>
        tpu.wait_dma2 semaphore(%run_scoped3A : memref<!tpu.dma_semaphore, #tpu.memory_space<semaphore_mem>>) src(%dma_wait3A_320 : memref<128x128xf32, #tpu.memory_space<hbm>>) dst(%dma_wait3A_317 : memref<128x128xf32, #tpu.memory_space<vmem_shared>>)
        tpu.yield
      }) : () -> ()
      %add3A_307 = arith.constant 128 : i32
      %add3A_308 = arith.addi %add3A_306, %add3A_307 : i32
      "tpu.region"() ({
        %run_scoped3A = tpu.sem_alloc : memref<!tpu.dma_semaphore, #tpu.memory_space<semaphore_mem>>
        %dma_start3A_311 = arith.constant 0 : i32
        %dma_start3A_312 = tpu.memref_slice %arg23[%add3A_308, %dma_start3A_311] : memref<10000x128xf32, #tpu.memory_space<vmem_shared>> -> memref<112x128xf32, #tpu.memory_space<vmem_shared>>
        %dma_start3A_313 = arith.constant 0 : i32
        %dma_start3A_314 = arith.constant 0 : i32
        %dma_start3A_315 = tpu.memref_slice %arg6[%dma_start3A_313, %dma_start3A_314] : memref<128x128xf32, #tpu.memory_space<hbm>> -> memref<112x128xf32, #tpu.memory_space<hbm>>
        tpu.enqueue_dma source(%dma_start3A_315 : memref<112x128xf32, #tpu.memory_space<hbm>>) target(%dma_start3A_312 : memref<112x128xf32, #tpu.memory_space<vmem_shared>>) target_semaphore(%run_scoped3A : memref<!tpu.dma_semaphore, #tpu.memory_space<semaphore_mem>>)
        %dma_wait3A_316 = arith.constant 0 : i32
        %dma_wait3A_317 = tpu.memref_slice %arg23[%add3A_308, %dma_wait3A_316] : memref<10000x128xf32, #tpu.memory_space<vmem_shared>> -> memref<112x128xf32, #tpu.memory_space<vmem_shared>>
        %dma_wait3A_318 = arith.constant 0 : i32
        %dma_wait3A_319 = arith.constant 0 : i32
        %dma_wait3A_320 = tpu.memref_slice %arg6[%dma_wait3A_318, %dma_wait3A_319] : memref<128x128xf32, #tpu.memory_space<hbm>> -> memref<112x128xf32, #tpu.memory_space<hbm>>
        tpu.wait_dma2 semaphore(%run_scoped3A : memref<!tpu.dma_semaphore, #tpu.memory_space<semaphore_mem>>) src(%dma_wait3A_320 : memref<112x128xf32, #tpu.memory_space<hbm>>) dst(%dma_wait3A_317 : memref<112x128xf32, #tpu.memory_space<vmem_shared>>)
        tpu.yield
      }) : () -> ()
      %add3A_309 = arith.constant 112 : i32
      %add3A_310 = arith.addi %add3A_308, %add3A_309 : i32
    } else {
    }
    %eq3A = arith.constant 15 : i32
    %eq3A_5 = arith.cmpi eq, %arg1, %eq3A : i32
    %convert_element_type3A_6 = arith.extui %eq3A_5 : i1 to i32
    %cond3A_7 = arith.constant 0 : i32
    %cond3A_8 = arith.cmpi ne, %convert_element_type3A_6, %cond3A_7 : i32
    scf.if %cond3A_8 {
      %mul3A_299 = arith.constant 624 : i32
      %mul3A_300 = arith.muli %arg1, %mul3A_299 : i32
      "tpu.region"() ({
        %run_scoped3A = tpu.sem_alloc : memref<!tpu.dma_semaphore, #tpu.memory_space<semaphore_mem>>
        %dma_start3A_311 = arith.constant 0 : i32
        %dma_start3A_312 = tpu.memref_slice %arg23[%mul3A_300, %dma_start3A_311] : memref<10000x128xf32, #tpu.memory_space<vmem_shared>> -> memref<128x128xf32, #tpu.memory_space<vmem_shared>>
        %dma_start3A_313 = arith.constant 0 : i32
        %dma_start3A_314 = arith.constant 0 : i32
        %dma_start3A_315 = tpu.memref_slice %arg6[%dma_start3A_313, %dma_start3A_314] : memref<128x128xf32, #tpu.memory_space<hbm>> -> memref<128x128xf32, #tpu.memory_space<hbm>>
        tpu.enqueue_dma source(%dma_start3A_315 : memref<128x128xf32, #tpu.memory_space<hbm>>) target(%dma_start3A_312 : memref<128x128xf32, #tpu.memory_space<vmem_shared>>) target_semaphore(%run_scoped3A : memref<!tpu.dma_semaphore, #tpu.memory_space<semaphore_mem>>)
        %dma_wait3A_316 = arith.constant 0 : i32
        %dma_wait3A_317 = tpu.memref_slice %arg23[%mul3A_300, %dma_wait3A_316] : memref<10000x128xf32, #tpu.memory_space<vmem_shared>> -> memref<128x128xf32, #tpu.memory_space<vmem_shared>>
        %dma_wait3A_318 = arith.constant 0 : i32
        %dma_wait3A_319 = arith.constant 0 : i32
        %dma_wait3A_320 = tpu.memref_slice %arg6[%dma_wait3A_318, %dma_wait3A_319] : memref<128x128xf32, #tpu.memory_space<hbm>> -> memref<128x128xf32, #tpu.memory_space<hbm>>
        tpu.wait_dma2 semaphore(%run_scoped3A : memref<!tpu.dma_semaphore, #tpu.memory_space<semaphore_mem>>) src(%dma_wait3A_320 : memref<128x128xf32, #tpu.memory_space<hbm>>) dst(%dma_wait3A_317 : memref<128x128xf32, #tpu.memory_space<vmem_shared>>)
        tpu.yield
      }) : () -> ()
      %add3A_301 = arith.constant 128 : i32
      %add3A_302 = arith.addi %mul3A_300, %add3A_301 : i32
      "tpu.region"() ({
        %run_scoped3A = tpu.sem_alloc : memref<!tpu.dma_semaphore, #tpu.memory_space<semaphore_mem>>
        %dma_start3A_311 = arith.constant 0 : i32
        %dma_start3A_312 = tpu.memref_slice %arg23[%add3A_302, %dma_start3A_311] : memref<10000x128xf32, #tpu.memory_space<vmem_shared>> -> memref<128x128xf32, #tpu.memory_space<vmem_shared>>
        %dma_start3A_313 = arith.constant 0 : i32
        %dma_start3A_314 = arith.constant 0 : i32
        %dma_start3A_315 = tpu.memref_slice %arg6[%dma_start3A_313, %dma_start3A_314] : memref<128x128xf32, #tpu.memory_space<hbm>> -> memref<128x128xf32, #tpu.memory_space<hbm>>
        tpu.enqueue_dma source(%dma_start3A_315 : memref<128x128xf32, #tpu.memory_space<hbm>>) target(%dma_start3A_312 : memref<128x128xf32, #tpu.memory_space<vmem_shared>>) target_semaphore(%run_scoped3A : memref<!tpu.dma_semaphore, #tpu.memory_space<semaphore_mem>>)
        %dma_wait3A_316 = arith.constant 0 : i32
        %dma_wait3A_317 = tpu.memref_slice %arg23[%add3A_302, %dma_wait3A_316] : memref<10000x128xf32, #tpu.memory_space<vmem_shared>> -> memref<128x128xf32, #tpu.memory_space<vmem_shared>>
        %dma_wait3A_318 = arith.constant 0 : i32
        %dma_wait3A_319 = arith.constant 0 : i32
        %dma_wait3A_320 = tpu.memref_slice %arg6[%dma_wait3A_318, %dma_wait3A_319] : memref<128x128xf32, #tpu.memory_space<hbm>> -> memref<128x128xf32, #tpu.memory_space<hbm>>
        tpu.wait_dma2 semaphore(%run_scoped3A : memref<!tpu.dma_semaphore, #tpu.memory_space<semaphore_mem>>) src(%dma_wait3A_320 : memref<128x128xf32, #tpu.memory_space<hbm>>) dst(%dma_wait3A_317 : memref<128x128xf32, #tpu.memory_space<vmem_shared>>)
        tpu.yield
      }) : () -> ()
      %add3A_303 = arith.constant 128 : i32
      %add3A_304 = arith.addi %add3A_302, %add3A_303 : i32
      "tpu.region"() ({
        %run_scoped3A = tpu.sem_alloc : memref<!tpu.dma_semaphore, #tpu.memory_space<semaphore_mem>>
        %dma_start3A_311 = arith.constant 0 : i32
        %dma_start3A_312 = tpu.memref_slice %arg23[%add3A_304, %dma_start3A_311] : memref<10000x128xf32, #tpu.memory_space<vmem_shared>> -> memref<128x128xf32, #tpu.memory_space<vmem_shared>>
        %dma_start3A_313 = arith.constant 0 : i32
        %dma_start3A_314 = arith.constant 0 : i32
        %dma_start3A_315 = tpu.memref_slice %arg6[%dma_start3A_313, %dma_start3A_314] : memref<128x128xf32, #tpu.memory_space<hbm>> -> memref<128x128xf32, #tpu.memory_space<hbm>>
        tpu.enqueue_dma source(%dma_start3A_315 : memref<128x128xf32, #tpu.memory_space<hbm>>) target(%dma_start3A_312 : memref<128x128xf32, #tpu.memory_space<vmem_shared>>) target_semaphore(%run_scoped3A : memref<!tpu.dma_semaphore, #tpu.memory_space<semaphore_mem>>)
        %dma_wait3A_316 = arith.constant 0 : i32
        %dma_wait3A_317 = tpu.memref_slice %arg23[%add3A_304, %dma_wait3A_316] : memref<10000x128xf32, #tpu.memory_space<vmem_shared>> -> memref<128x128xf32, #tpu.memory_space<vmem_shared>>
        %dma_wait3A_318 = arith.constant 0 : i32
        %dma_wait3A_319 = arith.constant 0 : i32
        %dma_wait3A_320 = tpu.memref_slice %arg6[%dma_wait3A_318, %dma_wait3A_319] : memref<128x128xf32, #tpu.memory_space<hbm>> -> memref<128x128xf32, #tpu.memory_space<hbm>>
        tpu.wait_dma2 semaphore(%run_scoped3A : memref<!tpu.dma_semaphore, #tpu.memory_space<semaphore_mem>>) src(%dma_wait3A_320 : memref<128x128xf32, #tpu.memory_space<hbm>>) dst(%dma_wait3A_317 : memref<128x128xf32, #tpu.memory_space<vmem_shared>>)
        tpu.yield
      }) : () -> ()
      %add3A_305 = arith.constant 128 : i32
      %add3A_306 = arith.addi %add3A_304, %add3A_305 : i32
      "tpu.region"() ({
        %run_scoped3A = tpu.sem_alloc : memref<!tpu.dma_semaphore, #tpu.memory_space<semaphore_mem>>
        %dma_start3A_311 = arith.constant 0 : i32
        %dma_start3A_312 = tpu.memref_slice %arg23[%add3A_306, %dma_start3A_311] : memref<10000x128xf32, #tpu.memory_space<vmem_shared>> -> memref<128x128xf32, #tpu.memory_space<vmem_shared>>
        %dma_start3A_313 = arith.constant 0 : i32
        %dma_start3A_314 = arith.constant 0 : i32
        %dma_start3A_315 = tpu.memref_slice %arg6[%dma_start3A_313, %dma_start3A_314] : memref<128x128xf32, #tpu.memory_space<hbm>> -> memref<128x128xf32, #tpu.memory_space<hbm>>
        tpu.enqueue_dma source(%dma_start3A_315 : memref<128x128xf32, #tpu.memory_space<hbm>>) target(%dma_start3A_312 : memref<128x128xf32, #tpu.memory_space<vmem_shared>>) target_semaphore(%run_scoped3A : memref<!tpu.dma_semaphore, #tpu.memory_space<semaphore_mem>>)
        %dma_wait3A_316 = arith.constant 0 : i32
        %dma_wait3A_317 = tpu.memref_slice %arg23[%add3A_306, %dma_wait3A_316] : memref<10000x128xf32, #tpu.memory_space<vmem_shared>> -> memref<128x128xf32, #tpu.memory_space<vmem_shared>>
        %dma_wait3A_318 = arith.constant 0 : i32
        %dma_wait3A_319 = arith.constant 0 : i32
        %dma_wait3A_320 = tpu.memref_slice %arg6[%dma_wait3A_318, %dma_wait3A_319] : memref<128x128xf32, #tpu.memory_space<hbm>> -> memref<128x128xf32, #tpu.memory_space<hbm>>
        tpu.wait_dma2 semaphore(%run_scoped3A : memref<!tpu.dma_semaphore, #tpu.memory_space<semaphore_mem>>) src(%dma_wait3A_320 : memref<128x128xf32, #tpu.memory_space<hbm>>) dst(%dma_wait3A_317 : memref<128x128xf32, #tpu.memory_space<vmem_shared>>)
        tpu.yield
      }) : () -> ()
      %add3A_307 = arith.constant 128 : i32
      %add3A_308 = arith.addi %add3A_306, %add3A_307 : i32
      "tpu.region"() ({
        %run_scoped3A = tpu.sem_alloc : memref<!tpu.dma_semaphore, #tpu.memory_space<semaphore_mem>>
        %dma_start3A_311 = arith.constant 0 : i32
        %dma_start3A_312 = tpu.memref_slice %arg23[%add3A_308, %dma_start3A_311] : memref<10000x128xf32, #tpu.memory_space<vmem_shared>> -> memref<128x128xf32, #tpu.memory_space<vmem_shared>>
        %dma_start3A_313 = arith.constant 0 : i32
        %dma_start3A_314 = arith.constant 0 : i32
        %dma_start3A_315 = tpu.memref_slice %arg6[%dma_start3A_313, %dma_start3A_314] : memref<128x128xf32, #tpu.memory_space<hbm>> -> memref<128x128xf32, #tpu.memory_space<hbm>>
        tpu.enqueue_dma source(%dma_start3A_315 : memref<128x128xf32, #tpu.memory_space<hbm>>) target(%dma_start3A_312 : memref<128x128xf32, #tpu.memory_space<vmem_shared>>) target_semaphore(%run_scoped3A : memref<!tpu.dma_semaphore, #tpu.memory_space<semaphore_mem>>)
        %dma_wait3A_316 = arith.constant 0 : i32
        %dma_wait3A_317 = tpu.memref_slice %arg23[%add3A_308, %dma_wait3A_316] : memref<10000x128xf32, #tpu.memory_space<vmem_shared>> -> memref<128x128xf32, #tpu.memory_space<vmem_shared>>
        %dma_wait3A_318 = arith.constant 0 : i32
        %dma_wait3A_319 = arith.constant 0 : i32
        %dma_wait3A_320 = tpu.memref_slice %arg6[%dma_wait3A_318, %dma_wait3A_319] : memref<128x128xf32, #tpu.memory_space<hbm>> -> memref<128x128xf32, #tpu.memory_space<hbm>>
        tpu.wait_dma2 semaphore(%run_scoped3A : memref<!tpu.dma_semaphore, #tpu.memory_space<semaphore_mem>>) src(%dma_wait3A_320 : memref<128x128xf32, #tpu.memory_space<hbm>>) dst(%dma_wait3A_317 : memref<128x128xf32, #tpu.memory_space<vmem_shared>>)
        tpu.yield
      }) : () -> ()
      %add3A_309 = arith.constant 128 : i32
      %add3A_310 = arith.addi %add3A_308, %add3A_309 : i32
    } else {
    }
    %mul3A_9 = arith.constant 640 : i32
    %mul3A_10 = arith.muli %arg1, %mul3A_9 : i32
    "tpu.region"() ({
      %run_scoped3A = tpu.sem_alloc : memref<!tpu.dma_semaphore, #tpu.memory_space<semaphore_mem>>
      %dma_start3A_299 = tpu.memref_slice %arg24[%mul3A_10] : memref<10240xf32, #tpu.memory_space<vmem_shared>> -> memref<640xf32, #tpu.memory_space<vmem_shared>>
      tpu.enqueue_dma source(%arg7 : memref<640xf32, #tpu.memory_space<hbm>>) target(%dma_start3A_299 : memref<640xf32, #tpu.memory_space<vmem_shared>>) target_semaphore(%run_scoped3A : memref<!tpu.dma_semaphore, #tpu.memory_space<semaphore_mem>>)
      %dma_wait3A_300 = tpu.memref_slice %arg24[%mul3A_10] : memref<10240xf32, #tpu.memory_space<vmem_shared>> -> memref<640xf32, #tpu.memory_space<vmem_shared>>
      tpu.wait_dma2 semaphore(%run_scoped3A : memref<!tpu.dma_semaphore, #tpu.memory_space<semaphore_mem>>) src(%arg7 : memref<640xf32, #tpu.memory_space<hbm>>) dst(%dma_wait3A_300 : memref<640xf32, #tpu.memory_space<vmem_shared>>)
      tpu.yield
    }) : () -> ()
    %barrier3A = arith.constant 0 : index
    tpu.barrier barrier_id(%barrier3A)
    %add3A_11 = arith.constant 0 : i32
    %add3A_12 = arith.addi %mul3A_2, %add3A_11 : i32
    %dma_start3A = arith.constant 0 : i32
    %dma_start3A_13 = tpu.memref_slice %arg13[%dma_start3A] : memref<224xi32, #tpu.memory_space<vmem>> -> memref<112xi32, #tpu.memory_space<vmem>>
    %dma_start3A_14 = tpu.memref_slice %arg4[%add3A_12] : memref<320000xi32, #tpu.memory_space<hbm>> -> memref<112xi32, #tpu.memory_space<hbm>>
    %dma_start3A_15 = arith.constant 0 : i32
    %dma_start3A_16 = tpu.memref_slice %arg13[%dma_start3A_15] : memref<224xi32, #tpu.memory_space<vmem>> -> memref<112xi32, #tpu.memory_space<vmem>>
    %dma_start3A_17 = tpu.memref_slice %arg4[%add3A_12] : memref<320000xi32, #tpu.memory_space<hbm>> -> memref<112xi32, #tpu.memory_space<hbm>>
    tpu.enqueue_dma source(%dma_start3A_17 : memref<112xi32, #tpu.memory_space<hbm>>) target(%dma_start3A_16 : memref<112xi32, #tpu.memory_space<vmem>>) target_semaphore(%arg25 : memref<!tpu.dma_semaphore, #tpu.memory_space<semaphore_mem>>)
    %dma_start3A_18 = arith.constant 112 : i32
    %dma_start3A_19 = tpu.memref_slice %arg13[%dma_start3A_18] : memref<224xi32, #tpu.memory_space<vmem>> -> memref<112xi32, #tpu.memory_space<vmem>>
    %dma_start3A_20 = tpu.memref_slice %arg5[%add3A_12] : memref<320000xi32, #tpu.memory_space<hbm>> -> memref<112xi32, #tpu.memory_space<hbm>>
    %dma_start3A_21 = arith.constant 112 : i32
    %dma_start3A_22 = tpu.memref_slice %arg13[%dma_start3A_21] : memref<224xi32, #tpu.memory_space<vmem>> -> memref<112xi32, #tpu.memory_space<vmem>>
    %dma_start3A_23 = tpu.memref_slice %arg5[%add3A_12] : memref<320000xi32, #tpu.memory_space<hbm>> -> memref<112xi32, #tpu.memory_space<hbm>>
    tpu.enqueue_dma source(%dma_start3A_23 : memref<112xi32, #tpu.memory_space<hbm>>) target(%dma_start3A_22 : memref<112xi32, #tpu.memory_space<vmem>>) target_semaphore(%arg25 : memref<!tpu.dma_semaphore, #tpu.memory_space<semaphore_mem>>)
    %add3A_24 = arith.constant 112 : i32
    %add3A_25 = arith.addi %mul3A_2, %add3A_24 : i32
    %dma_start3A_26 = arith.constant 0 : i32
    %dma_start3A_27 = tpu.memref_slice %arg18[%dma_start3A_26] : memref<224xi32, #tpu.memory_space<vmem>> -> memref<112xi32, #tpu.memory_space<vmem>>
    %dma_start3A_28 = tpu.memref_slice %arg4[%add3A_25] : memref<320000xi32, #tpu.memory_space<hbm>> -> memref<112xi32, #tpu.memory_space<hbm>>
    %dma_start3A_29 = arith.constant 0 : i32
    %dma_start3A_30 = tpu.memref_slice %arg18[%dma_start3A_29] : memref<224xi32, #tpu.memory_space<vmem>> -> memref<112xi32, #tpu.memory_space<vmem>>
    %dma_start3A_31 = tpu.memref_slice %arg4[%add3A_25] : memref<320000xi32, #tpu.memory_space<hbm>> -> memref<112xi32, #tpu.memory_space<hbm>>
    tpu.enqueue_dma source(%dma_start3A_31 : memref<112xi32, #tpu.memory_space<hbm>>) target(%dma_start3A_30 : memref<112xi32, #tpu.memory_space<vmem>>) target_semaphore(%arg29 : memref<!tpu.dma_semaphore, #tpu.memory_space<semaphore_mem>>)
    %dma_start3A_32 = arith.constant 112 : i32
    %dma_start3A_33 = tpu.memref_slice %arg18[%dma_start3A_32] : memref<224xi32, #tpu.memory_space<vmem>> -> memref<112xi32, #tpu.memory_space<vmem>>
    %dma_start3A_34 = tpu.memref_slice %arg5[%add3A_25] : memref<320000xi32, #tpu.memory_space<hbm>> -> memref<112xi32, #tpu.memory_space<hbm>>
    %dma_start3A_35 = arith.constant 112 : i32
    %dma_start3A_36 = tpu.memref_slice %arg18[%dma_start3A_35] : memref<224xi32, #tpu.memory_space<vmem>> -> memref<112xi32, #tpu.memory_space<vmem>>
    %dma_start3A_37 = tpu.memref_slice %arg5[%add3A_25] : memref<320000xi32, #tpu.memory_space<hbm>> -> memref<112xi32, #tpu.memory_space<hbm>>
    tpu.enqueue_dma source(%dma_start3A_37 : memref<112xi32, #tpu.memory_space<hbm>>) target(%dma_start3A_36 : memref<112xi32, #tpu.memory_space<vmem>>) target_semaphore(%arg29 : memref<!tpu.dma_semaphore, #tpu.memory_space<semaphore_mem>>)
    %dma_wait3A = arith.constant 0 : i32
    %dma_wait3A_38 = tpu.memref_slice %arg13[%dma_wait3A] : memref<224xi32, #tpu.memory_space<vmem>> -> memref<112xi32, #tpu.memory_space<vmem>>
    %dma_wait3A_39 = arith.constant 0 : i32
    %dma_wait3A_40 = tpu.memref_slice %arg4[%dma_wait3A_39] : memref<320000xi32, #tpu.memory_space<hbm>> -> memref<112xi32, #tpu.memory_space<hbm>>
    %dma_wait3A_41 = arith.constant 0 : i32
    %dma_wait3A_42 = tpu.memref_slice %arg13[%dma_wait3A_41] : memref<224xi32, #tpu.memory_space<vmem>> -> memref<112xi32, #tpu.memory_space<vmem>>
    %dma_wait3A_43 = arith.constant 0 : i32
    %dma_wait3A_44 = tpu.memref_slice %arg4[%dma_wait3A_43] : memref<320000xi32, #tpu.memory_space<hbm>> -> memref<112xi32, #tpu.memory_space<hbm>>
    tpu.wait_dma2 semaphore(%arg25 : memref<!tpu.dma_semaphore, #tpu.memory_space<semaphore_mem>>) src(%dma_wait3A_44 : memref<112xi32, #tpu.memory_space<hbm>>) dst(%dma_wait3A_42 : memref<112xi32, #tpu.memory_space<vmem>>)
    %dma_wait3A_45 = arith.constant 112 : i32
    %dma_wait3A_46 = tpu.memref_slice %arg13[%dma_wait3A_45] : memref<224xi32, #tpu.memory_space<vmem>> -> memref<112xi32, #tpu.memory_space<vmem>>
    %dma_wait3A_47 = arith.constant 0 : i32
    %dma_wait3A_48 = tpu.memref_slice %arg4[%dma_wait3A_47] : memref<320000xi32, #tpu.memory_space<hbm>> -> memref<112xi32, #tpu.memory_space<hbm>>
    %dma_wait3A_49 = arith.constant 112 : i32
    %dma_wait3A_50 = tpu.memref_slice %arg13[%dma_wait3A_49] : memref<224xi32, #tpu.memory_space<vmem>> -> memref<112xi32, #tpu.memory_space<vmem>>
    %dma_wait3A_51 = arith.constant 0 : i32
    %dma_wait3A_52 = tpu.memref_slice %arg4[%dma_wait3A_51] : memref<320000xi32, #tpu.memory_space<hbm>> -> memref<112xi32, #tpu.memory_space<hbm>>
    tpu.wait_dma2 semaphore(%arg25 : memref<!tpu.dma_semaphore, #tpu.memory_space<semaphore_mem>>) src(%dma_wait3A_52 : memref<112xi32, #tpu.memory_space<hbm>>) dst(%dma_wait3A_50 : memref<112xi32, #tpu.memory_space<vmem>>)
    %get3A = arith.constant 0 : index
    %get3A_53 = tpu.vector_load %arg13[%get3A] {strides = array<i32>} : memref<224xi32, #tpu.memory_space<vmem>>, vector<16xi32>,
    %get3A_54 = vector.shape_cast %get3A_53 : vector<16xi32> to vector<16xi32>
    %swap3A = arith.constant 0 : index
    %swap3A_55 = tpu.vector_load %arg14[%swap3A] {strides = array<i32>} : memref<112xi32, #tpu.memory_space<vmem>>, vector<16xi32>,
    %swap3A_56 = vector.shape_cast %swap3A_55 : vector<16xi32> to vector<16xi32>
    %swap3A_57 = vector.shape_cast %get3A_54 : vector<16xi32> to vector<16xi32>
    tpu.vector_store %arg14[%swap3A], %swap3A_57 {strides = array<i32>} : memref<112xi32, #tpu.memory_space<vmem>>, vector<16xi32>,
    %get3A_58 = arith.constant 16 : index
    %get3A_59 = tpu.vector_load %arg13[%get3A_58] {strides = array<i32>} : memref<224xi32, #tpu.memory_space<vmem>>, vector<16xi32>,
    %get3A_60 = vector.shape_cast %get3A_59 : vector<16xi32> to vector<16xi32>
    %swap3A_61 = arith.constant 16 : index
    %swap3A_62 = tpu.vector_load %arg14[%swap3A_61] {strides = array<i32>} : memref<112xi32, #tpu.memory_space<vmem>>, vector<16xi32>,
    %swap3A_63 = vector.shape_cast %swap3A_62 : vector<16xi32> to vector<16xi32>
    %swap3A_64 = vector.shape_cast %get3A_60 : vector<16xi32> to vector<16xi32>
    tpu.vector_store %arg14[%swap3A_61], %swap3A_64 {strides = array<i32>} : memref<112xi32, #tpu.memory_space<vmem>>, vector<16xi32>,
    %get3A_65 = arith.constant 32 : index
    %get3A_66 = tpu.vector_load %arg13[%get3A_65] {strides = array<i32>} : memref<224xi32, #tpu.memory_space<vmem>>, vector<16xi32>,
    %get3A_67 = vector.shape_cast %get3A_66 : vector<16xi32> to vector<16xi32>
    %swap3A_68 = arith.constant 32 : index
    %swap3A_69 = tpu.vector_load %arg14[%swap3A_68] {strides = array<i32>} : memref<112xi32, #tpu.memory_space<vmem>>, vector<16xi32>,
    %swap3A_70 = vector.shape_cast %swap3A_69 : vector<16xi32> to vector<16xi32>
    %swap3A_71 = vector.shape_cast %get3A_67 : vector<16xi32> to vector<16xi32>
    tpu.vector_store %arg14[%swap3A_68], %swap3A_71 {strides = array<i32>} : memref<112xi32, #tpu.memory_space<vmem>>, vector<16xi32>,
    %get3A_72 = arith.constant 48 : index
    %get3A_73 = tpu.vector_load %arg13[%get3A_72] {strides = array<i32>} : memref<224xi32, #tpu.memory_space<vmem>>, vector<16xi32>,
    %get3A_74 = vector.shape_cast %get3A_73 : vector<16xi32> to vector<16xi32>
    %swap3A_75 = arith.constant 48 : index
    %swap3A_76 = tpu.vector_load %arg14[%swap3A_75] {strides = array<i32>} : memref<112xi32, #tpu.memory_space<vmem>>, vector<16xi32>,
    %swap3A_77 = vector.shape_cast %swap3A_76 : vector<16xi32> to vector<16xi32>
    %swap3A_78 = vector.shape_cast %get3A_74 : vector<16xi32> to vector<16xi32>
    tpu.vector_store %arg14[%swap3A_75], %swap3A_78 {strides = array<i32>} : memref<112xi32, #tpu.memory_space<vmem>>, vector<16xi32>,
    %get3A_79 = arith.constant 64 : index
    %get3A_80 = tpu.vector_load %arg13[%get3A_79] {strides = array<i32>} : memref<224xi32, #tpu.memory_space<vmem>>, vector<16xi32>,
    %get3A_81 = vector.shape_cast %get3A_80 : vector<16xi32> to vector<16xi32>
    %swap3A_82 = arith.constant 64 : index
    %swap3A_83 = tpu.vector_load %arg14[%swap3A_82] {strides = array<i32>} : memref<112xi32, #tpu.memory_space<vmem>>, vector<16xi32>,
    %swap3A_84 = vector.shape_cast %swap3A_83 : vector<16xi32> to vector<16xi32>
    %swap3A_85 = vector.shape_cast %get3A_81 : vector<16xi32> to vector<16xi32>
    tpu.vector_store %arg14[%swap3A_82], %swap3A_85 {strides = array<i32>} : memref<112xi32, #tpu.memory_space<vmem>>, vector<16xi32>,
    %get3A_86 = arith.constant 80 : index
    %get3A_87 = tpu.vector_load %arg13[%get3A_86] {strides = array<i32>} : memref<224xi32, #tpu.memory_space<vmem>>, vector<16xi32>,
    %get3A_88 = vector.shape_cast %get3A_87 : vector<16xi32> to vector<16xi32>
    %swap3A_89 = arith.constant 80 : index
    %swap3A_90 = tpu.vector_load %arg14[%swap3A_89] {strides = array<i32>} : memref<112xi32, #tpu.memory_space<vmem>>, vector<16xi32>,
    %swap3A_91 = vector.shape_cast %swap3A_90 : vector<16xi32> to vector<16xi32>
    %swap3A_92 = vector.shape_cast %get3A_88 : vector<16xi32> to vector<16xi32>
    tpu.vector_store %arg14[%swap3A_89], %swap3A_92 {strides = array<i32>} : memref<112xi32, #tpu.memory_space<vmem>>, vector<16xi32>,
    %get3A_93 = arith.constant 96 : index
    %get3A_94 = tpu.vector_load %arg13[%get3A_93] {strides = array<i32>} : memref<224xi32, #tpu.memory_space<vmem>>, vector<16xi32>,
    %get3A_95 = vector.shape_cast %get3A_94 : vector<16xi32> to vector<16xi32>
    %swap3A_96 = arith.constant 96 : index
    %swap3A_97 = tpu.vector_load %arg14[%swap3A_96] {strides = array<i32>} : memref<112xi32, #tpu.memory_space<vmem>>, vector<16xi32>,
    %swap3A_98 = vector.shape_cast %swap3A_97 : vector<16xi32> to vector<16xi32>
    %swap3A_99 = vector.shape_cast %get3A_95 : vector<16xi32> to vector<16xi32>
    tpu.vector_store %arg14[%swap3A_96], %swap3A_99 {strides = array<i32>} : memref<112xi32, #tpu.memory_space<vmem>>, vector<16xi32>,
    %get3A_100 = arith.constant 112 : index
    %get3A_101 = tpu.vector_load %arg13[%get3A_100] {strides = array<i32>} : memref<224xi32, #tpu.memory_space<vmem>>, vector<16xi32>,
    %get3A_102 = vector.shape_cast %get3A_101 : vector<16xi32> to vector<16xi32>
    %swap3A_103 = arith.constant 0 : index
    %swap3A_104 = tpu.vector_load %arg15[%swap3A_103] {strides = array<i32>} : memref<112xi32, #tpu.memory_space<vmem>>, vector<16xi32>,
    %swap3A_105 = vector.shape_cast %swap3A_104 : vector<16xi32> to vector<16xi32>
    %swap3A_106 = vector.shape_cast %get3A_102 : vector<16xi32> to vector<16xi32>
    tpu.vector_store %arg15[%swap3A_103], %swap3A_106 {strides = array<i32>} : memref<112xi32, #tpu.memory_space<vmem>>, vector<16xi32>,
    %get3A_107 = arith.constant 128 : index
    %get3A_108 = tpu.vector_load %arg13[%get3A_107] {strides = array<i32>} : memref<224xi32, #tpu.memory_space<vmem>>, vector<16xi32>,
    %get3A_109 = vector.shape_cast %get3A_108 : vector<16xi32> to vector<16xi32>
    %swap3A_110 = arith.constant 16 : index
    %swap3A_111 = tpu.vector_load %arg15[%swap3A_110] {strides = array<i32>} : memref<112xi32, #tpu.memory_space<vmem>>, vector<16xi32>,
    %swap3A_112 = vector.shape_cast %swap3A_111 : vector<16xi32> to vector<16xi32>
    %swap3A_113 = vector.shape_cast %get3A_109 : vector<16xi32> to vector<16xi32>
    tpu.vector_store %arg15[%swap3A_110], %swap3A_113 {strides = array<i32>} : memref<112xi32, #tpu.memory_space<vmem>>, vector<16xi32>,
    %get3A_114 = arith.constant 144 : index
    %get3A_115 = tpu.vector_load %arg13[%get3A_114] {strides = array<i32>} : memref<224xi32, #tpu.memory_space<vmem>>, vector<16xi32>,
    %get3A_116 = vector.shape_cast %get3A_115 : vector<16xi32> to vector<16xi32>
    %swap3A_117 = arith.constant 32 : index
    %swap3A_118 = tpu.vector_load %arg15[%swap3A_117] {strides = array<i32>} : memref<112xi32, #tpu.memory_space<vmem>>, vector<16xi32>,
    %swap3A_119 = vector.shape_cast %swap3A_118 : vector<16xi32> to vector<16xi32>
    %swap3A_120 = vector.shape_cast %get3A_116 : vector<16xi32> to vector<16xi32>
    tpu.vector_store %arg15[%swap3A_117], %swap3A_120 {strides = array<i32>} : memref<112xi32, #tpu.memory_space<vmem>>, vector<16xi32>,
    %get3A_121 = arith.constant 160 : index
    %get3A_122 = tpu.vector_load %arg13[%get3A_121] {strides = array<i32>} : memref<224xi32, #tpu.memory_space<vmem>>, vector<16xi32>,
    %get3A_123 = vector.shape_cast %get3A_122 : vector<16xi32> to vector<16xi32>
    %swap3A_124 = arith.constant 48 : index
    %swap3A_125 = tpu.vector_load %arg15[%swap3A_124] {strides = array<i32>} : memref<112xi32, #tpu.memory_space<vmem>>, vector<16xi32>,
    %swap3A_126 = vector.shape_cast %swap3A_125 : vector<16xi32> to vector<16xi32>
    %swap3A_127 = vector.shape_cast %get3A_123 : vector<16xi32> to vector<16xi32>
    tpu.vector_store %arg15[%swap3A_124], %swap3A_127 {strides = array<i32>} : memref<112xi32, #tpu.memory_space<vmem>>, vector<16xi32>,
    %get3A_128 = arith.constant 176 : index
    %get3A_129 = tpu.vector_load %arg13[%get3A_128] {strides = array<i32>} : memref<224xi32, #tpu.memory_space<vmem>>, vector<16xi32>,
    %get3A_130 = vector.shape_cast %get3A_129 : vector<16xi32> to vector<16xi32>
    %swap3A_131 = arith.constant 64 : index
    %swap3A_132 = tpu.vector_load %arg15[%swap3A_131] {strides = array<i32>} : memref<112xi32, #tpu.memory_space<vmem>>, vector<16xi32>,
    %swap3A_133 = vector.shape_cast %swap3A_132 : vector<16xi32> to vector<16xi32>
    %swap3A_134 = vector.shape_cast %get3A_130 : vector<16xi32> to vector<16xi32>
    tpu.vector_store %arg15[%swap3A_131], %swap3A_134 {strides = array<i32>} : memref<112xi32, #tpu.memory_space<vmem>>, vector<16xi32>,
    %get3A_135 = arith.constant 192 : index
    %get3A_136 = tpu.vector_load %arg13[%get3A_135] {strides = array<i32>} : memref<224xi32, #tpu.memory_space<vmem>>, vector<16xi32>,
    %get3A_137 = vector.shape_cast %get3A_136 : vector<16xi32> to vector<16xi32>
    %swap3A_138 = arith.constant 80 : index
    %swap3A_139 = tpu.vector_load %arg15[%swap3A_138] {strides = array<i32>} : memref<112xi32, #tpu.memory_space<vmem>>, vector<16xi32>,
    %swap3A_140 = vector.shape_cast %swap3A_139 : vector<16xi32> to vector<16xi32>
    %swap3A_141 = vector.shape_cast %get3A_137 : vector<16xi32> to vector<16xi32>
    tpu.vector_store %arg15[%swap3A_138], %swap3A_141 {strides = array<i32>} : memref<112xi32, #tpu.memory_space<vmem>>, vector<16xi32>,
    %get3A_142 = arith.constant 208 : index
    %get3A_143 = tpu.vector_load %arg13[%get3A_142] {strides = array<i32>} : memref<224xi32, #tpu.memory_space<vmem>>, vector<16xi32>,
    %get3A_144 = vector.shape_cast %get3A_143 : vector<16xi32> to vector<16xi32>
    %swap3A_145 = arith.constant 96 : index
    %swap3A_146 = tpu.vector_load %arg15[%swap3A_145] {strides = array<i32>} : memref<112xi32, #tpu.memory_space<vmem>>, vector<16xi32>,
    %swap3A_147 = vector.shape_cast %swap3A_146 : vector<16xi32> to vector<16xi32>
    %swap3A_148 = vector.shape_cast %get3A_144 : vector<16xi32> to vector<16xi32>
    tpu.vector_store %arg15[%swap3A_145], %swap3A_148 {strides = array<i32>} : memref<112xi32, #tpu.memory_space<vmem>>, vector<16xi32>,
    %dma_start3A_149 = arith.constant 0 : i32
    %dma_start3A_150 = arith.constant 0 : i32
    %dma_start3A_151 = tpu.memref_slice %arg2[%dma_start3A_149, %dma_start3A_150] : memref<10000x128xf32, #tpu.memory_space<hbm>> -> memref<10000x128xf32, #tpu.memory_space<hbm>>
    tpu.enqueue_indirect_dma source(%dma_start3A_151 : memref<10000x128xf32, #tpu.memory_space<hbm>>) target(%arg16 : memref<112x128xf32, #tpu.memory_space<vmem>>) offsets(%arg14 : memref<112xi32, #tpu.memory_space<vmem>>) semaphore(%arg26 : memref<!tpu.dma_semaphore, #tpu.memory_space<semaphore_mem>>)
    %dma_start3A_152 = arith.constant 0 : i32
    %dma_start3A_153 = tpu.memref_slice %arg3[%dma_start3A_152] : memref<10000xf32, #tpu.memory_space<hbm>> -> memref<10000xf32, #tpu.memory_space<hbm>>
    tpu.enqueue_indirect_dma source(%dma_start3A_153 : memref<10000xf32, #tpu.memory_space<hbm>>) target(%arg17 : memref<112xf32, #tpu.memory_space<vmem>>) offsets(%arg14 : memref<112xi32, #tpu.memory_space<vmem>>) semaphore(%arg27 : memref<!tpu.dma_semaphore, #tpu.memory_space<semaphore_mem>>)
    %scan3A = arith.constant 0 : i32
    %scan3A_154 = arith.constant 0 : i32
    %scan3A_155 = arith.constant 44 : i32
    %scan3A_156 = arith.addi %scan3A_154, %scan3A_155 : i32
    %scan3A_157 = arith.constant 1 : i32
    scf.for %scan3A_299 = %scan3A_154 to %scan3A_156 step %scan3A_157  : i32 {
      %mul3A_300 = arith.constant 2 : i32
      %mul3A_301 = arith.muli %mul3A_300, %scan3A_299 : i32
      %add3A_302 = arith.constant 0 : i32
      %add3A_303 = arith.addi %mul3A_301, %add3A_302 : i32
      %ge3A = arith.constant 1 : i32
      %ge3A_304 = arith.cmpi sge, %add3A_303, %ge3A : i32
      %convert_element_type3A_305 = arith.extui %ge3A_304 : i1 to i32
      %cond3A_306 = arith.constant 0 : i32
      %cond3A_307 = arith.cmpi ne, %convert_element_type3A_305, %cond3A_306 : i32
      scf.if %cond3A_307 {
        %dma_wait3A_599 = arith.constant 0 : i32
        %dma_wait3A_600 = arith.constant 0 : i32
        %dma_wait3A_601 = tpu.memref_slice %arg2[%dma_wait3A_599, %dma_wait3A_600] : memref<10000x128xf32, #tpu.memory_space<hbm>> -> memref<112x128xf32, #tpu.memory_space<hbm>>
        %dma_wait3A_602 = arith.constant 0 : i32
        %dma_wait3A_603 = arith.constant 0 : i32
        %dma_wait3A_604 = tpu.memref_slice %arg2[%dma_wait3A_602, %dma_wait3A_603] : memref<10000x128xf32, #tpu.memory_space<hbm>> -> memref<112x128xf32, #tpu.memory_space<hbm>>
        tpu.wait_dma2 semaphore(%arg32 : memref<!tpu.dma_semaphore, #tpu.memory_space<semaphore_mem>>) src(%dma_wait3A_604 : memref<112x128xf32, #tpu.memory_space<hbm>>) dst(%arg21 : memref<112x128xf32, #tpu.memory_space<vmem>>)
        %dma_wait3A_605 = arith.constant 0 : i32
        %dma_wait3A_606 = tpu.memref_slice %arg3[%dma_wait3A_605] : memref<10000xf32, #tpu.memory_space<hbm>> -> memref<112xf32, #tpu.memory_space<hbm>>
        %dma_wait3A_607 = arith.constant 0 : i32
        %dma_wait3A_608 = tpu.memref_slice %arg3[%dma_wait3A_607] : memref<10000xf32, #tpu.memory_space<hbm>> -> memref<112xf32, #tpu.memory_space<hbm>>
        tpu.wait_dma2 semaphore(%arg32 : memref<!tpu.dma_semaphore, #tpu.memory_space<semaphore_mem>>) src(%dma_wait3A_608 : memref<112xf32, #tpu.memory_space<hbm>>) dst(%arg22 : memref<112xf32, #tpu.memory_space<vmem>>)
      } else {
      }
      %dma_wait3A_308 = arith.constant 0 : i32
      %dma_wait3A_309 = tpu.memref_slice %arg18[%dma_wait3A_308] : memref<224xi32, #tpu.memory_space<vmem>> -> memref<112xi32, #tpu.memory_space<vmem>>
      %dma_wait3A_310 = arith.constant 0 : i32
      %dma_wait3A_311 = tpu.memref_slice %arg4[%dma_wait3A_310] : memref<320000xi32, #tpu.memory_space<hbm>> -> memref<112xi32, #tpu.memory_space<hbm>>
      %dma_wait3A_312 = arith.constant 0 : i32
      %dma_wait3A_313 = tpu.memref_slice %arg18[%dma_wait3A_312] : memref<224xi32, #tpu.memory_space<vmem>> -> memref<112xi32, #tpu.memory_space<vmem>>
      %dma_wait3A_314 = arith.constant 0 : i32
      %dma_wait3A_315 = tpu.memref_slice %arg4[%dma_wait3A_314] : memref<320000xi32, #tpu.memory_space<hbm>> -> memref<112xi32, #tpu.memory_space<hbm>>
      tpu.wait_dma2 semaphore(%arg29 : memref<!tpu.dma_semaphore, #tpu.memory_space<semaphore_mem>>) src(%dma_wait3A_315 : memref<112xi32, #tpu.memory_space<hbm>>) dst(%dma_wait3A_313 : memref<112xi32, #tpu.memory_space<vmem>>)
      %dma_wait3A_316 = arith.constant 112 : i32
      %dma_wait3A_317 = tpu.memref_slice %arg18[%dma_wait3A_316] : memref<224xi32, #tpu.memory_space<vmem>> -> memref<112xi32, #tpu.memory_space<vmem>>
      %dma_wait3A_318 = arith.constant 0 : i32
      %dma_wait3A_319 = tpu.memref_slice %arg4[%dma_wait3A_318] : memref<320000xi32, #tpu.memory_space<hbm>> -> memref<112xi32, #tpu.memory_space<hbm>>
      %dma_wait3A_320 = arith.constant 112 : i32
      %dma_wait3A_321 = tpu.memref_slice %arg18[%dma_wait3A_320] : memref<224xi32, #tpu.memory_space<vmem>> -> memref<112xi32, #tpu.memory_space<vmem>>
      %dma_wait3A_322 = arith.constant 0 : i32
      %dma_wait3A_323 = tpu.memref_slice %arg4[%dma_wait3A_322] : memref<320000xi32, #tpu.memory_space<hbm>> -> memref<112xi32, #tpu.memory_space<hbm>>
      tpu.wait_dma2 semaphore(%arg29 : memref<!tpu.dma_semaphore, #tpu.memory_space<semaphore_mem>>) src(%dma_wait3A_323 : memref<112xi32, #tpu.memory_space<hbm>>) dst(%dma_wait3A_321 : memref<112xi32, #tpu.memory_space<vmem>>)
      %get3A_324 = arith.constant 0 : index
      %get3A_325 = tpu.vector_load %arg18[%get3A_324] {strides = array<i32>} : memref<224xi32, #tpu.memory_space<vmem>>, vector<16xi32>,
      %get3A_326 = vector.shape_cast %get3A_325 : vector<16xi32> to vector<16xi32>
      %swap3A_327 = arith.constant 0 : index
      %swap3A_328 = tpu.vector_load %arg19[%swap3A_327] {strides = array<i32>} : memref<112xi32, #tpu.memory_space<vmem>>, vector<16xi32>,
      %swap3A_329 = vector.shape_cast %swap3A_328 : vector<16xi32> to vector<16xi32>
      %swap3A_330 = vector.shape_cast %get3A_326 : vector<16xi32> to vector<16xi32>
      tpu.vector_store %arg19[%swap3A_327], %swap3A_330 {strides = array<i32>} : memref<112xi32, #tpu.memory_space<vmem>>, vector<16xi32>,
      %get3A_331 = arith.constant 16 : index
      %get3A_332 = tpu.vector_load %arg18[%get3A_331] {strides = array<i32>} : memref<224xi32, #tpu.memory_space<vmem>>, vector<16xi32>,
      %get3A_333 = vector.shape_cast %get3A_332 : vector<16xi32> to vector<16xi32>
      %swap3A_334 = arith.constant 16 : index
      %swap3A_335 = tpu.vector_load %arg19[%swap3A_334] {strides = array<i32>} : memref<112xi32, #tpu.memory_space<vmem>>, vector<16xi32>,
      %swap3A_336 = vector.shape_cast %swap3A_335 : vector<16xi32> to vector<16xi32>
      %swap3A_337 = vector.shape_cast %get3A_333 : vector<16xi32> to vector<16xi32>
      tpu.vector_store %arg19[%swap3A_334], %swap3A_337 {strides = array<i32>} : memref<112xi32, #tpu.memory_space<vmem>>, vector<16xi32>,
      %get3A_338 = arith.constant 32 : index
      %get3A_339 = tpu.vector_load %arg18[%get3A_338] {strides = array<i32>} : memref<224xi32, #tpu.memory_space<vmem>>, vector<16xi32>,
      %get3A_340 = vector.shape_cast %get3A_339 : vector<16xi32> to vector<16xi32>
      %swap3A_341 = arith.constant 32 : index
      %swap3A_342 = tpu.vector_load %arg19[%swap3A_341] {strides = array<i32>} : memref<112xi32, #tpu.memory_space<vmem>>, vector<16xi32>,
      %swap3A_343 = vector.shape_cast %swap3A_342 : vector<16xi32> to vector<16xi32>
      %swap3A_344 = vector.shape_cast %get3A_340 : vector<16xi32> to vector<16xi32>
      tpu.vector_store %arg19[%swap3A_341], %swap3A_344 {strides = array<i32>} : memref<112xi32, #tpu.memory_space<vmem>>, vector<16xi32>,
      %get3A_345 = arith.constant 48 : index
      %get3A_346 = tpu.vector_load %arg18[%get3A_345] {strides = array<i32>} : memref<224xi32, #tpu.memory_space<vmem>>, vector<16xi32>,
      %get3A_347 = vector.shape_cast %get3A_346 : vector<16xi32> to vector<16xi32>
      %swap3A_348 = arith.constant 48 : index
      %swap3A_349 = tpu.vector_load %arg19[%swap3A_348] {strides = array<i32>} : memref<112xi32, #tpu.memory_space<vmem>>, vector<16xi32>,
      %swap3A_350 = vector.shape_cast %swap3A_349 : vector<16xi32> to vector<16xi32>
      %swap3A_351 = vector.shape_cast %get3A_347 : vector<16xi32> to vector<16xi32>
      tpu.vector_store %arg19[%swap3A_348], %swap3A_351 {strides = array<i32>} : memref<112xi32, #tpu.memory_space<vmem>>, vector<16xi32>,
      %get3A_352 = arith.constant 64 : index
      %get3A_353 = tpu.vector_load %arg18[%get3A_352] {strides = array<i32>} : memref<224xi32, #tpu.memory_space<vmem>>, vector<16xi32>,
      %get3A_354 = vector.shape_cast %get3A_353 : vector<16xi32> to vector<16xi32>
      %swap3A_355 = arith.constant 64 : index
      %swap3A_356 = tpu.vector_load %arg19[%swap3A_355] {strides = array<i32>} : memref<112xi32, #tpu.memory_space<vmem>>, vector<16xi32>,
      %swap3A_357 = vector.shape_cast %swap3A_356 : vector<16xi32> to vector<16xi32>
      %swap3A_358 = vector.shape_cast %get3A_354 : vector<16xi32> to vector<16xi32>
      tpu.vector_store %arg19[%swap3A_355], %swap3A_358 {strides = array<i32>} : memref<112xi32, #tpu.memory_space<vmem>>, vector<16xi32>,
      %get3A_359 = arith.constant 80 : index
      %get3A_360 = tpu.vector_load %arg18[%get3A_359] {strides = array<i32>} : memref<224xi32, #tpu.memory_space<vmem>>, vector<16xi32>,
      %get3A_361 = vector.shape_cast %get3A_360 : vector<16xi32> to vector<16xi32>
      %swap3A_362 = arith.constant 80 : index
      %swap3A_363 = tpu.vector_load %arg19[%swap3A_362] {strides = array<i32>} : memref<112xi32, #tpu.memory_space<vmem>>, vector<16xi32>,
      %swap3A_364 = vector.shape_cast %swap3A_363 : vector<16xi32> to vector<16xi32>
      %swap3A_365 = vector.shape_cast %get3A_361 : vector<16xi32> to vector<16xi32>
      tpu.vector_store %arg19[%swap3A_362], %swap3A_365 {strides = array<i32>} : memref<112xi32, #tpu.memory_space<vmem>>, vector<16xi32>,
      %get3A_366 = arith.constant 96 : index
      %get3A_367 = tpu.vector_load %arg18[%get3A_366] {strides = array<i32>} : memref<224xi32, #tpu.memory_space<vmem>>, vector<16xi32>,
      %get3A_368 = vector.shape_cast %get3A_367 : vector<16xi32> to vector<16xi32>
      %swap3A_369 = arith.constant 96 : index
      %swap3A_370 = tpu.vector_load %arg19[%swap3A_369] {strides = array<i32>} : memref<112xi32, #tpu.memory_space<vmem>>, vector<16xi32>,
      %swap3A_371 = vector.shape_cast %swap3A_370 : vector<16xi32> to vector<16xi32>
      %swap3A_372 = vector.shape_cast %get3A_368 : vector<16xi32> to vector<16xi32>
      tpu.vector_store %arg19[%swap3A_369], %swap3A_372 {strides = array<i32>} : memref<112xi32, #tpu.memory_space<vmem>>, vector<16xi32>,
      %get3A_373 = arith.constant 112 : index
      %get3A_374 = tpu.vector_load %arg18[%get3A_373] {strides = array<i32>} : memref<224xi32, #tpu.memory_space<vmem>>, vector<16xi32>,
      %get3A_375 = vector.shape_cast %get3A_374 : vector<16xi32> to vector<16xi32>
      %swap3A_376 = arith.constant 0 : index
      %swap3A_377 = tpu.vector_load %arg20[%swap3A_376] {strides = array<i32>} : memref<112xi32, #tpu.memory_space<vmem>>, vector<16xi32>,
      %swap3A_378 = vector.shape_cast %swap3A_377 : vector<16xi32> to vector<16xi32>
      %swap3A_379 = vector.shape_cast %get3A_375 : vector<16xi32> to vector<16xi32>
      tpu.vector_store %arg20[%swap3A_376], %swap3A_379 {strides = array<i32>} : memref<112xi32, #tpu.memory_space<vmem>>, vector<16xi32>,
      %get3A_380 = arith.constant 128 : index
      %get3A_381 = tpu.vector_load %arg18[%get3A_380] {strides = array<i32>} : memref<224xi32, #tpu.memory_space<vmem>>, vector<16xi32>,
      %get3A_382 = vector.shape_cast %get3A_381 : vector<16xi32> to vector<16xi32>
      %swap3A_383 = arith.constant 16 : index
      %swap3A_384 = tpu.vector_load %arg20[%swap3A_383] {strides = array<i32>} : memref<112xi32, #tpu.memory_space<vmem>>, vector<16xi32>,
      %swap3A_385 = vector.shape_cast %swap3A_384 : vector<16xi32> to vector<16xi32>
      %swap3A_386 = vector.shape_cast %get3A_382 : vector<16xi32> to vector<16xi32>
      tpu.vector_store %arg20[%swap3A_383], %swap3A_386 {strides = array<i32>} : memref<112xi32, #tpu.memory_space<vmem>>, vector<16xi32>,
      %get3A_387 = arith.constant 144 : index
      %get3A_388 = tpu.vector_load %arg18[%get3A_387] {strides = array<i32>} : memref<224xi32, #tpu.memory_space<vmem>>, vector<16xi32>,
      %get3A_389 = vector.shape_cast %get3A_388 : vector<16xi32> to vector<16xi32>
      %swap3A_390 = arith.constant 32 : index
      %swap3A_391 = tpu.vector_load %arg20[%swap3A_390] {strides = array<i32>} : memref<112xi32, #tpu.memory_space<vmem>>, vector<16xi32>,
      %swap3A_392 = vector.shape_cast %swap3A_391 : vector<16xi32> to vector<16xi32>
      %swap3A_393 = vector.shape_cast %get3A_389 : vector<16xi32> to vector<16xi32>
      tpu.vector_store %arg20[%swap3A_390], %swap3A_393 {strides = array<i32>} : memref<112xi32, #tpu.memory_space<vmem>>, vector<16xi32>,
      %get3A_394 = arith.constant 160 : index
      %get3A_395 = tpu.vector_load %arg18[%get3A_394] {strides = array<i32>} : memref<224xi32, #tpu.memory_space<vmem>>, vector<16xi32>,
      %get3A_396 = vector.shape_cast %get3A_395 : vector<16xi32> to vector<16xi32>
      %swap3A_397 = arith.constant 48 : index
      %swap3A_398 = tpu.vector_load %arg20[%swap3A_397] {strides = array<i32>} : memref<112xi32, #tpu.memory_space<vmem>>, vector<16xi32>,
      %swap3A_399 = vector.shape_cast %swap3A_398 : vector<16xi32> to vector<16xi32>
      %swap3A_400 = vector.shape_cast %get3A_396 : vector<16xi32> to vector<16xi32>
      tpu.vector_store %arg20[%swap3A_397], %swap3A_400 {strides = array<i32>} : memref<112xi32, #tpu.memory_space<vmem>>, vector<16xi32>,
      %get3A_401 = arith.constant 176 : index
      %get3A_402 = tpu.vector_load %arg18[%get3A_401] {strides = array<i32>} : memref<224xi32, #tpu.memory_space<vmem>>, vector<16xi32>,
      %get3A_403 = vector.shape_cast %get3A_402 : vector<16xi32> to vector<16xi32>
      %swap3A_404 = arith.constant 64 : index
      %swap3A_405 = tpu.vector_load %arg20[%swap3A_404] {strides = array<i32>} : memref<112xi32, #tpu.memory_space<vmem>>, vector<16xi32>,
      %swap3A_406 = vector.shape_cast %swap3A_405 : vector<16xi32> to vector<16xi32>
      %swap3A_407 = vector.shape_cast %get3A_403 : vector<16xi32> to vector<16xi32>
      tpu.vector_store %arg20[%swap3A_404], %swap3A_407 {strides = array<i32>} : memref<112xi32, #tpu.memory_space<vmem>>, vector<16xi32>,
      %get3A_408 = arith.constant 192 : index
      %get3A_409 = tpu.vector_load %arg18[%get3A_408] {strides = array<i32>} : memref<224xi32, #tpu.memory_space<vmem>>, vector<16xi32>,
      %get3A_410 = vector.shape_cast %get3A_409 : vector<16xi32> to vector<16xi32>
      %swap3A_411 = arith.constant 80 : index
      %swap3A_412 = tpu.vector_load %arg20[%swap3A_411] {strides = array<i32>} : memref<112xi32, #tpu.memory_space<vmem>>, vector<16xi32>,
      %swap3A_413 = vector.shape_cast %swap3A_412 : vector<16xi32> to vector<16xi32>
      %swap3A_414 = vector.shape_cast %get3A_410 : vector<16xi32> to vector<16xi32>
      tpu.vector_store %arg20[%swap3A_411], %swap3A_414 {strides = array<i32>} : memref<112xi32, #tpu.memory_space<vmem>>, vector<16xi32>,
      %get3A_415 = arith.constant 208 : index
      %get3A_416 = tpu.vector_load %arg18[%get3A_415] {strides = array<i32>} : memref<224xi32, #tpu.memory_space<vmem>>, vector<16xi32>,
      %get3A_417 = vector.shape_cast %get3A_416 : vector<16xi32> to vector<16xi32>
      %swap3A_418 = arith.constant 96 : index
      %swap3A_419 = tpu.vector_load %arg20[%swap3A_418] {strides = array<i32>} : memref<112xi32, #tpu.memory_space<vmem>>, vector<16xi32>,
      %swap3A_420 = vector.shape_cast %swap3A_419 : vector<16xi32> to vector<16xi32>
      %swap3A_421 = vector.shape_cast %get3A_417 : vector<16xi32> to vector<16xi32>
      tpu.vector_store %arg20[%swap3A_418], %swap3A_421 {strides = array<i32>} : memref<112xi32, #tpu.memory_space<vmem>>, vector<16xi32>,
      %dma_start3A_422 = arith.constant 0 : i32
      %dma_start3A_423 = arith.constant 0 : i32
      %dma_start3A_424 = tpu.memref_slice %arg2[%dma_start3A_422, %dma_start3A_423] : memref<10000x128xf32, #tpu.memory_space<hbm>> -> memref<10000x128xf32, #tpu.memory_space<hbm>>
      tpu.enqueue_indirect_dma source(%dma_start3A_424 : memref<10000x128xf32, #tpu.memory_space<hbm>>) target(%arg21 : memref<112x128xf32, #tpu.memory_space<vmem>>) offsets(%arg19 : memref<112xi32, #tpu.memory_space<vmem>>) semaphore(%arg30 : memref<!tpu.dma_semaphore, #tpu.memory_space<semaphore_mem>>)
      %dma_start3A_425 = arith.constant 0 : i32
      %dma_start3A_426 = tpu.memref_slice %arg3[%dma_start3A_425] : memref<10000xf32, #tpu.memory_space<hbm>> -> memref<10000xf32, #tpu.memory_space<hbm>>
      tpu.enqueue_indirect_dma source(%dma_start3A_426 : memref<10000xf32, #tpu.memory_space<hbm>>) target(%arg22 : memref<112xf32, #tpu.memory_space<vmem>>) offsets(%arg19 : memref<112xi32, #tpu.memory_space<vmem>>) semaphore(%arg31 : memref<!tpu.dma_semaphore, #tpu.memory_space<semaphore_mem>>)
      %add3A_427 = arith.constant 2 : i32
      %add3A_428 = arith.addi %add3A_303, %add3A_427 : i32
      %lt3A_429 = arith.constant 89 : i32
      %lt3A_430 = arith.cmpi slt, %add3A_428, %lt3A_429 : i32
      %convert_element_type3A_431 = arith.extui %lt3A_430 : i1 to i32
      %cond3A_432 = arith.constant 0 : i32
      %cond3A_433 = arith.cmpi ne, %convert_element_type3A_431, %cond3A_432 : i32
      scf.if %cond3A_433 {
        %add3A_599 = arith.constant 2 : i32
        %add3A_600 = arith.addi %add3A_303, %add3A_599 : i32
        %mul3A_601 = arith.constant 112 : i32
        %mul3A_602 = arith.muli %add3A_600, %mul3A_601 : i32
        %add3A_603 = arith.addi %mul3A_2, %mul3A_602 : i32
        %dma_start3A_604 = arith.constant 0 : i32
        %dma_start3A_605 = tpu.memref_slice %arg13[%dma_start3A_604] : memref<224xi32, #tpu.memory_space<vmem>> -> memref<112xi32, #tpu.memory_space<vmem>>
        %dma_start3A_606 = tpu.memref_slice %arg4[%add3A_603] : memref<320000xi32, #tpu.memory_space<hbm>> -> memref<112xi32, #tpu.memory_space<hbm>>
        %dma_start3A_607 = arith.constant 0 : i32
        %dma_start3A_608 = tpu.memref_slice %arg13[%dma_start3A_607] : memref<224xi32, #tpu.memory_space<vmem>> -> memref<112xi32, #tpu.memory_space<vmem>>
        %dma_start3A_609 = tpu.memref_slice %arg4[%add3A_603] : memref<320000xi32, #tpu.memory_space<hbm>> -> memref<112xi32, #tpu.memory_space<hbm>>
        tpu.enqueue_dma source(%dma_start3A_609 : memref<112xi32, #tpu.memory_space<hbm>>) target(%dma_start3A_608 : memref<112xi32, #tpu.memory_space<vmem>>) target_semaphore(%arg25 : memref<!tpu.dma_semaphore, #tpu.memory_space<semaphore_mem>>)
        %dma_start3A_610 = arith.constant 112 : i32
        %dma_start3A_611 = tpu.memref_slice %arg13[%dma_start3A_610] : memref<224xi32, #tpu.memory_space<vmem>> -> memref<112xi32, #tpu.memory_space<vmem>>
        %dma_start3A_612 = tpu.memref_slice %arg5[%add3A_603] : memref<320000xi32, #tpu.memory_space<hbm>> -> memref<112xi32, #tpu.memory_space<hbm>>
        %dma_start3A_613 = arith.constant 112 : i32
        %dma_start3A_614 = tpu.memref_slice %arg13[%dma_start3A_613] : memref<224xi32, #tpu.memory_space<vmem>> -> memref<112xi32, #tpu.memory_space<vmem>>
        %dma_start3A_615 = tpu.memref_slice %arg5[%add3A_603] : memref<320000xi32, #tpu.memory_space<hbm>> -> memref<112xi32, #tpu.memory_space<hbm>>
        tpu.enqueue_dma source(%dma_start3A_615 : memref<112xi32, #tpu.memory_space<hbm>>) target(%dma_start3A_614 : memref<112xi32, #tpu.memory_space<vmem>>) target_semaphore(%arg25 : memref<!tpu.dma_semaphore, #tpu.memory_space<semaphore_mem>>)
      } else {
      }
      %dma_wait3A_434 = arith.constant 0 : i32
      %dma_wait3A_435 = arith.constant 0 : i32
      %dma_wait3A_436 = tpu.memref_slice %arg2[%dma_wait3A_434, %dma_wait3A_435] : memref<10000x128xf32, #tpu.memory_space<hbm>> -> memref<112x128xf32, #tpu.memory_space<hbm>>
      %dma_wait3A_437 = arith.constant 0 : i32
      %dma_wait3A_438 = arith.constant 0 : i32
      %dma_wait3A_439 = tpu.memref_slice %arg2[%dma_wait3A_437, %dma_wait3A_438] : memref<10000x128xf32, #tpu.memory_space<hbm>> -> memref<112x128xf32, #tpu.memory_space<hbm>>
      tpu.wait_dma2 semaphore(%arg26 : memref<!tpu.dma_semaphore, #tpu.memory_space<semaphore_mem>>) src(%dma_wait3A_439 : memref<112x128xf32, #tpu.memory_space<hbm>>) dst(%arg16 : memref<112x128xf32, #tpu.memory_space<vmem>>)
      %dma_wait3A_440 = arith.constant 0 : i32
      %dma_wait3A_441 = tpu.memref_slice %arg3[%dma_wait3A_440] : memref<10000xf32, #tpu.memory_space<hbm>> -> memref<112xf32, #tpu.memory_space<hbm>>
      %dma_wait3A_442 = arith.constant 0 : i32
      %dma_wait3A_443 = tpu.memref_slice %arg3[%dma_wait3A_442] : memref<10000xf32, #tpu.memory_space<hbm>> -> memref<112xf32, #tpu.memory_space<hbm>>
      tpu.wait_dma2 semaphore(%arg27 : memref<!tpu.dma_semaphore, #tpu.memory_space<semaphore_mem>>) src(%dma_wait3A_443 : memref<112xf32, #tpu.memory_space<hbm>>) dst(%arg17 : memref<112xf32, #tpu.memory_space<vmem>>)
      %dma_start3A_444 = arith.constant 0 : i32
      %dma_start3A_445 = arith.constant 0 : i32
      %dma_start3A_446 = tpu.memref_slice %arg23[%dma_start3A_444, %dma_start3A_445] : memref<10000x128xf32, #tpu.memory_space<vmem_shared>> -> memref<10000x128xf32, #tpu.memory_space<vmem_shared>>
      tpu.enqueue_indirect_dma source(%arg16 : memref<112x128xf32, #tpu.memory_space<vmem>>) target(%dma_start3A_446 : memref<10000x128xf32, #tpu.memory_space<vmem_shared>>) offsets(%arg15 : memref<112xi32, #tpu.memory_space<vmem>>) semaphore(%arg28 : memref<!tpu.dma_semaphore, #tpu.memory_space<semaphore_mem>>) {add = true}
      %dma_start3A_447 = arith.constant 0 : i32
      %dma_start3A_448 = tpu.memref_slice %arg24[%dma_start3A_447] : memref<10240xf32, #tpu.memory_space<vmem_shared>> -> memref<10240xf32, #tpu.memory_space<vmem_shared>>
      tpu.enqueue_indirect_dma source(%arg17 : memref<112xf32, #tpu.memory_space<vmem>>) target(%dma_start3A_448 : memref<10240xf32, #tpu.memory_space<vmem_shared>>) offsets(%arg15 : memref<112xi32, #tpu.memory_space<vmem>>) semaphore(%arg28 : memref<!tpu.dma_semaphore, #tpu.memory_space<semaphore_mem>>) {add = true}
      %mul3A_449 = arith.constant 2 : i32
      %mul3A_450 = arith.muli %mul3A_449, %scan3A_299 : i32
      %add3A_451 = arith.constant 1 : i32
      %add3A_452 = arith.addi %mul3A_450, %add3A_451 : i32
      %ge3A_453 = arith.constant 1 : i32
      %ge3A_454 = arith.cmpi sge, %add3A_452, %ge3A_453 : i32
      %convert_element_type3A_455 = arith.extui %ge3A_454 : i1 to i32
      %cond3A_456 = arith.constant 0 : i32
      %cond3A_457 = arith.cmpi ne, %convert_element_type3A_455, %cond3A_456 : i32
      scf.if %cond3A_457 {
        %dma_wait3A_599 = arith.constant 0 : i32
        %dma_wait3A_600 = arith.constant 0 : i32
        %dma_wait3A_601 = tpu.memref_slice %arg2[%dma_wait3A_599, %dma_wait3A_600] : memref<10000x128xf32, #tpu.memory_space<hbm>> -> memref<112x128xf32, #tpu.memory_space<hbm>>
        %dma_wait3A_602 = arith.constant 0 : i32
        %dma_wait3A_603 = arith.constant 0 : i32
        %dma_wait3A_604 = tpu.memref_slice %arg2[%dma_wait3A_602, %dma_wait3A_603] : memref<10000x128xf32, #tpu.memory_space<hbm>> -> memref<112x128xf32, #tpu.memory_space<hbm>>
        tpu.wait_dma2 semaphore(%arg28 : memref<!tpu.dma_semaphore, #tpu.memory_space<semaphore_mem>>) src(%dma_wait3A_604 : memref<112x128xf32, #tpu.memory_space<hbm>>) dst(%arg16 : memref<112x128xf32, #tpu.memory_space<vmem>>)
        %dma_wait3A_605 = arith.constant 0 : i32
        %dma_wait3A_606 = tpu.memref_slice %arg3[%dma_wait3A_605] : memref<10000xf32, #tpu.memory_space<hbm>> -> memref<112xf32, #tpu.memory_space<hbm>>
        %dma_wait3A_607 = arith.constant 0 : i32
        %dma_wait3A_608 = tpu.memref_slice %arg3[%dma_wait3A_607] : memref<10000xf32, #tpu.memory_space<hbm>> -> memref<112xf32, #tpu.memory_space<hbm>>
        tpu.wait_dma2 semaphore(%arg28 : memref<!tpu.dma_semaphore, #tpu.memory_space<semaphore_mem>>) src(%dma_wait3A_608 : memref<112xf32, #tpu.memory_space<hbm>>) dst(%arg17 : memref<112xf32, #tpu.memory_space<vmem>>)
      } else {
      }
      %dma_wait3A_458 = arith.constant 0 : i32
      %dma_wait3A_459 = tpu.memref_slice %arg13[%dma_wait3A_458] : memref<224xi32, #tpu.memory_space<vmem>> -> memref<112xi32, #tpu.memory_space<vmem>>
      %dma_wait3A_460 = arith.constant 0 : i32
      %dma_wait3A_461 = tpu.memref_slice %arg4[%dma_wait3A_460] : memref<320000xi32, #tpu.memory_space<hbm>> -> memref<112xi32, #tpu.memory_space<hbm>>
      %dma_wait3A_462 = arith.constant 0 : i32
      %dma_wait3A_463 = tpu.memref_slice %arg13[%dma_wait3A_462] : memref<224xi32, #tpu.memory_space<vmem>> -> memref<112xi32, #tpu.memory_space<vmem>>
      %dma_wait3A_464 = arith.constant 0 : i32
      %dma_wait3A_465 = tpu.memref_slice %arg4[%dma_wait3A_464] : memref<320000xi32, #tpu.memory_space<hbm>> -> memref<112xi32, #tpu.memory_space<hbm>>
      tpu.wait_dma2 semaphore(%arg25 : memref<!tpu.dma_semaphore, #tpu.memory_space<semaphore_mem>>) src(%dma_wait3A_465 : memref<112xi32, #tpu.memory_space<hbm>>) dst(%dma_wait3A_463 : memref<112xi32, #tpu.memory_space<vmem>>)
      %dma_wait3A_466 = arith.constant 112 : i32
      %dma_wait3A_467 = tpu.memref_slice %arg13[%dma_wait3A_466] : memref<224xi32, #tpu.memory_space<vmem>> -> memref<112xi32, #tpu.memory_space<vmem>>
      %dma_wait3A_468 = arith.constant 0 : i32
      %dma_wait3A_469 = tpu.memref_slice %arg4[%dma_wait3A_468] : memref<320000xi32, #tpu.memory_space<hbm>> -> memref<112xi32, #tpu.memory_space<hbm>>
      %dma_wait3A_470 = arith.constant 112 : i32
      %dma_wait3A_471 = tpu.memref_slice %arg13[%dma_wait3A_470] : memref<224xi32, #tpu.memory_space<vmem>> -> memref<112xi32, #tpu.memory_space<vmem>>
      %dma_wait3A_472 = arith.constant 0 : i32
      %dma_wait3A_473 = tpu.memref_slice %arg4[%dma_wait3A_472] : memref<320000xi32, #tpu.memory_space<hbm>> -> memref<112xi32, #tpu.memory_space<hbm>>
      tpu.wait_dma2 semaphore(%arg25 : memref<!tpu.dma_semaphore, #tpu.memory_space<semaphore_mem>>) src(%dma_wait3A_473 : memref<112xi32, #tpu.memory_space<hbm>>) dst(%dma_wait3A_471 : memref<112xi32, #tpu.memory_space<vmem>>)
      %get3A_474 = arith.constant 0 : index
      %get3A_475 = tpu.vector_load %arg13[%get3A_474] {strides = array<i32>} : memref<224xi32, #tpu.memory_space<vmem>>, vector<16xi32>,
      %get3A_476 = vector.shape_cast %get3A_475 : vector<16xi32> to vector<16xi32>
      %swap3A_477 = arith.constant 0 : index
      %swap3A_478 = tpu.vector_load %arg14[%swap3A_477] {strides = array<i32>} : memref<112xi32, #tpu.memory_space<vmem>>, vector<16xi32>,
      %swap3A_479 = vector.shape_cast %swap3A_478 : vector<16xi32> to vector<16xi32>
      %swap3A_480 = vector.shape_cast %get3A_476 : vector<16xi32> to vector<16xi32>
      tpu.vector_store %arg14[%swap3A_477], %swap3A_480 {strides = array<i32>} : memref<112xi32, #tpu.memory_space<vmem>>, vector<16xi32>,
      %get3A_481 = arith.constant 16 : index
      %get3A_482 = tpu.vector_load %arg13[%get3A_481] {strides = array<i32>} : memref<224xi32, #tpu.memory_space<vmem>>, vector<16xi32>,
      %get3A_483 = vector.shape_cast %get3A_482 : vector<16xi32> to vector<16xi32>
      %swap3A_484 = arith.constant 16 : index
      %swap3A_485 = tpu.vector_load %arg14[%swap3A_484] {strides = array<i32>} : memref<112xi32, #tpu.memory_space<vmem>>, vector<16xi32>,
      %swap3A_486 = vector.shape_cast %swap3A_485 : vector<16xi32> to vector<16xi32>
      %swap3A_487 = vector.shape_cast %get3A_483 : vector<16xi32> to vector<16xi32>
      tpu.vector_store %arg14[%swap3A_484], %swap3A_487 {strides = array<i32>} : memref<112xi32, #tpu.memory_space<vmem>>, vector<16xi32>,
      %get3A_488 = arith.constant 32 : index
      %get3A_489 = tpu.vector_load %arg13[%get3A_488] {strides = array<i32>} : memref<224xi32, #tpu.memory_space<vmem>>, vector<16xi32>,
      %get3A_490 = vector.shape_cast %get3A_489 : vector<16xi32> to vector<16xi32>
      %swap3A_491 = arith.constant 32 : index
      %swap3A_492 = tpu.vector_load %arg14[%swap3A_491] {strides = array<i32>} : memref<112xi32, #tpu.memory_space<vmem>>, vector<16xi32>,
      %swap3A_493 = vector.shape_cast %swap3A_492 : vector<16xi32> to vector<16xi32>
      %swap3A_494 = vector.shape_cast %get3A_490 : vector<16xi32> to vector<16xi32>
      tpu.vector_store %arg14[%swap3A_491], %swap3A_494 {strides = array<i32>} : memref<112xi32, #tpu.memory_space<vmem>>, vector<16xi32>,
      %get3A_495 = arith.constant 48 : index
      %get3A_496 = tpu.vector_load %arg13[%get3A_495] {strides = array<i32>} : memref<224xi32, #tpu.memory_space<vmem>>, vector<16xi32>,
      %get3A_497 = vector.shape_cast %get3A_496 : vector<16xi32> to vector<16xi32>
      %swap3A_498 = arith.constant 48 : index
      %swap3A_499 = tpu.vector_load %arg14[%swap3A_498] {strides = array<i32>} : memref<112xi32, #tpu.memory_space<vmem>>, vector<16xi32>,
      %swap3A_500 = vector.shape_cast %swap3A_499 : vector<16xi32> to vector<16xi32>
      %swap3A_501 = vector.shape_cast %get3A_497 : vector<16xi32> to vector<16xi32>
      tpu.vector_store %arg14[%swap3A_498], %swap3A_501 {strides = array<i32>} : memref<112xi32, #tpu.memory_space<vmem>>, vector<16xi32>,
      %get3A_502 = arith.constant 64 : index
      %get3A_503 = tpu.vector_load %arg13[%get3A_502] {strides = array<i32>} : memref<224xi32, #tpu.memory_space<vmem>>, vector<16xi32>,
      %get3A_504 = vector.shape_cast %get3A_503 : vector<16xi32> to vector<16xi32>
      %swap3A_505 = arith.constant 64 : index
      %swap3A_506 = tpu.vector_load %arg14[%swap3A_505] {strides = array<i32>} : memref<112xi32, #tpu.memory_space<vmem>>, vector<16xi32>,
      %swap3A_507 = vector.shape_cast %swap3A_506 : vector<16xi32> to vector<16xi32>
      %swap3A_508 = vector.shape_cast %get3A_504 : vector<16xi32> to vector<16xi32>
      tpu.vector_store %arg14[%swap3A_505], %swap3A_508 {strides = array<i32>} : memref<112xi32, #tpu.memory_space<vmem>>, vector<16xi32>,
      %get3A_509 = arith.constant 80 : index
      %get3A_510 = tpu.vector_load %arg13[%get3A_509] {strides = array<i32>} : memref<224xi32, #tpu.memory_space<vmem>>, vector<16xi32>,
      %get3A_511 = vector.shape_cast %get3A_510 : vector<16xi32> to vector<16xi32>
      %swap3A_512 = arith.constant 80 : index
      %swap3A_513 = tpu.vector_load %arg14[%swap3A_512] {strides = array<i32>} : memref<112xi32, #tpu.memory_space<vmem>>, vector<16xi32>,
      %swap3A_514 = vector.shape_cast %swap3A_513 : vector<16xi32> to vector<16xi32>
      %swap3A_515 = vector.shape_cast %get3A_511 : vector<16xi32> to vector<16xi32>
      tpu.vector_store %arg14[%swap3A_512], %swap3A_515 {strides = array<i32>} : memref<112xi32, #tpu.memory_space<vmem>>, vector<16xi32>,
      %get3A_516 = arith.constant 96 : index
      %get3A_517 = tpu.vector_load %arg13[%get3A_516] {strides = array<i32>} : memref<224xi32, #tpu.memory_space<vmem>>, vector<16xi32>,
      %get3A_518 = vector.shape_cast %get3A_517 : vector<16xi32> to vector<16xi32>
      %swap3A_519 = arith.constant 96 : index
      %swap3A_520 = tpu.vector_load %arg14[%swap3A_519] {strides = array<i32>} : memref<112xi32, #tpu.memory_space<vmem>>, vector<16xi32>,
      %swap3A_521 = vector.shape_cast %swap3A_520 : vector<16xi32> to vector<16xi32>
      %swap3A_522 = vector.shape_cast %get3A_518 : vector<16xi32> to vector<16xi32>
      tpu.vector_store %arg14[%swap3A_519], %swap3A_522 {strides = array<i32>} : memref<112xi32, #tpu.memory_space<vmem>>, vector<16xi32>,
      %get3A_523 = arith.constant 112 : index
      %get3A_524 = tpu.vector_load %arg13[%get3A_523] {strides = array<i32>} : memref<224xi32, #tpu.memory_space<vmem>>, vector<16xi32>,
      %get3A_525 = vector.shape_cast %get3A_524 : vector<16xi32> to vector<16xi32>
      %swap3A_526 = arith.constant 0 : index
      %swap3A_527 = tpu.vector_load %arg15[%swap3A_526] {strides = array<i32>} : memref<112xi32, #tpu.memory_space<vmem>>, vector<16xi32>,
      %swap3A_528 = vector.shape_cast %swap3A_527 : vector<16xi32> to vector<16xi32>
      %swap3A_529 = vector.shape_cast %get3A_525 : vector<16xi32> to vector<16xi32>
      tpu.vector_store %arg15[%swap3A_526], %swap3A_529 {strides = array<i32>} : memref<112xi32, #tpu.memory_space<vmem>>, vector<16xi32>,
      %get3A_530 = arith.constant 128 : index
      %get3A_531 = tpu.vector_load %arg13[%get3A_530] {strides = array<i32>} : memref<224xi32, #tpu.memory_space<vmem>>, vector<16xi32>,
      %get3A_532 = vector.shape_cast %get3A_531 : vector<16xi32> to vector<16xi32>
      %swap3A_533 = arith.constant 16 : index
      %swap3A_534 = tpu.vector_load %arg15[%swap3A_533] {strides = array<i32>} : memref<112xi32, #tpu.memory_space<vmem>>, vector<16xi32>,
      %swap3A_535 = vector.shape_cast %swap3A_534 : vector<16xi32> to vector<16xi32>
      %swap3A_536 = vector.shape_cast %get3A_532 : vector<16xi32> to vector<16xi32>
      tpu.vector_store %arg15[%swap3A_533], %swap3A_536 {strides = array<i32>} : memref<112xi32, #tpu.memory_space<vmem>>, vector<16xi32>,
      %get3A_537 = arith.constant 144 : index
      %get3A_538 = tpu.vector_load %arg13[%get3A_537] {strides = array<i32>} : memref<224xi32, #tpu.memory_space<vmem>>, vector<16xi32>,
      %get3A_539 = vector.shape_cast %get3A_538 : vector<16xi32> to vector<16xi32>
      %swap3A_540 = arith.constant 32 : index
      %swap3A_541 = tpu.vector_load %arg15[%swap3A_540] {strides = array<i32>} : memref<112xi32, #tpu.memory_space<vmem>>, vector<16xi32>,
      %swap3A_542 = vector.shape_cast %swap3A_541 : vector<16xi32> to vector<16xi32>
      %swap3A_543 = vector.shape_cast %get3A_539 : vector<16xi32> to vector<16xi32>
      tpu.vector_store %arg15[%swap3A_540], %swap3A_543 {strides = array<i32>} : memref<112xi32, #tpu.memory_space<vmem>>, vector<16xi32>,
      %get3A_544 = arith.constant 160 : index
      %get3A_545 = tpu.vector_load %arg13[%get3A_544] {strides = array<i32>} : memref<224xi32, #tpu.memory_space<vmem>>, vector<16xi32>,
      %get3A_546 = vector.shape_cast %get3A_545 : vector<16xi32> to vector<16xi32>
      %swap3A_547 = arith.constant 48 : index
      %swap3A_548 = tpu.vector_load %arg15[%swap3A_547] {strides = array<i32>} : memref<112xi32, #tpu.memory_space<vmem>>, vector<16xi32>,
      %swap3A_549 = vector.shape_cast %swap3A_548 : vector<16xi32> to vector<16xi32>
      %swap3A_550 = vector.shape_cast %get3A_546 : vector<16xi32> to vector<16xi32>
      tpu.vector_store %arg15[%swap3A_547], %swap3A_550 {strides = array<i32>} : memref<112xi32, #tpu.memory_space<vmem>>, vector<16xi32>,
      %get3A_551 = arith.constant 176 : index
      %get3A_552 = tpu.vector_load %arg13[%get3A_551] {strides = array<i32>} : memref<224xi32, #tpu.memory_space<vmem>>, vector<16xi32>,
      %get3A_553 = vector.shape_cast %get3A_552 : vector<16xi32> to vector<16xi32>
      %swap3A_554 = arith.constant 64 : index
      %swap3A_555 = tpu.vector_load %arg15[%swap3A_554] {strides = array<i32>} : memref<112xi32, #tpu.memory_space<vmem>>, vector<16xi32>,
      %swap3A_556 = vector.shape_cast %swap3A_555 : vector<16xi32> to vector<16xi32>
      %swap3A_557 = vector.shape_cast %get3A_553 : vector<16xi32> to vector<16xi32>
      tpu.vector_store %arg15[%swap3A_554], %swap3A_557 {strides = array<i32>} : memref<112xi32, #tpu.memory_space<vmem>>, vector<16xi32>,
      %get3A_558 = arith.constant 192 : index
      %get3A_559 = tpu.vector_load %arg13[%get3A_558] {strides = array<i32>} : memref<224xi32, #tpu.memory_space<vmem>>, vector<16xi32>,
      %get3A_560 = vector.shape_cast %get3A_559 : vector<16xi32> to vector<16xi32>
      %swap3A_561 = arith.constant 80 : index
      %swap3A_562 = tpu.vector_load %arg15[%swap3A_561] {strides = array<i32>} : memref<112xi32, #tpu.memory_space<vmem>>, vector<16xi32>,
      %swap3A_563 = vector.shape_cast %swap3A_562 : vector<16xi32> to vector<16xi32>
      %swap3A_564 = vector.shape_cast %get3A_560 : vector<16xi32> to vector<16xi32>
      tpu.vector_store %arg15[%swap3A_561], %swap3A_564 {strides = array<i32>} : memref<112xi32, #tpu.memory_space<vmem>>, vector<16xi32>,
      %get3A_565 = arith.constant 208 : index
      %get3A_566 = tpu.vector_load %arg13[%get3A_565] {strides = array<i32>} : memref<224xi32, #tpu.memory_space<vmem>>, vector<16xi32>,
      %get3A_567 = vector.shape_cast %get3A_566 : vector<16xi32> to vector<16xi32>
      %swap3A_568 = arith.constant 96 : index
      %swap3A_569 = tpu.vector_load %arg15[%swap3A_568] {strides = array<i32>} : memref<112xi32, #tpu.memory_space<vmem>>, vector<16xi32>,
      %swap3A_570 = vector.shape_cast %swap3A_569 : vector<16xi32> to vector<16xi32>
      %swap3A_571 = vector.shape_cast %get3A_567 : vector<16xi32> to vector<16xi32>
      tpu.vector_store %arg15[%swap3A_568], %swap3A_571 {strides = array<i32>} : memref<112xi32, #tpu.memory_space<vmem>>, vector<16xi32>,
      %dma_start3A_572 = arith.constant 0 : i32
      %dma_start3A_573 = arith.constant 0 : i32
      %dma_start3A_574 = tpu.memref_slice %arg2[%dma_start3A_572, %dma_start3A_573] : memref<10000x128xf32, #tpu.memory_space<hbm>> -> memref<10000x128xf32, #tpu.memory_space<hbm>>
      tpu.enqueue_indirect_dma source(%dma_start3A_574 : memref<10000x128xf32, #tpu.memory_space<hbm>>) target(%arg16 : memref<112x128xf32, #tpu.memory_space<vmem>>) offsets(%arg14 : memref<112xi32, #tpu.memory_space<vmem>>) semaphore(%arg26 : memref<!tpu.dma_semaphore, #tpu.memory_space<semaphore_mem>>)
      %dma_start3A_575 = arith.constant 0 : i32
      %dma_start3A_576 = tpu.memref_slice %arg3[%dma_start3A_575] : memref<10000xf32, #tpu.memory_space<hbm>> -> memref<10000xf32, #tpu.memory_space<hbm>>
      tpu.enqueue_indirect_dma source(%dma_start3A_576 : memref<10000xf32, #tpu.memory_space<hbm>>) target(%arg17 : memref<112xf32, #tpu.memory_space<vmem>>) offsets(%arg14 : memref<112xi32, #tpu.memory_space<vmem>>) semaphore(%arg27 : memref<!tpu.dma_semaphore, #tpu.memory_space<semaphore_mem>>)
      %add3A_577 = arith.constant 2 : i32
      %add3A_578 = arith.addi %add3A_452, %add3A_577 : i32
      %lt3A_579 = arith.constant 89 : i32
      %lt3A_580 = arith.cmpi slt, %add3A_578, %lt3A_579 : i32
      %convert_element_type3A_581 = arith.extui %lt3A_580 : i1 to i32
      %cond3A_582 = arith.constant 0 : i32
      %cond3A_583 = arith.cmpi ne, %convert_element_type3A_581, %cond3A_582 : i32
      scf.if %cond3A_583 {
        %add3A_599 = arith.constant 2 : i32
        %add3A_600 = arith.addi %add3A_452, %add3A_599 : i32
        %mul3A_601 = arith.constant 112 : i32
        %mul3A_602 = arith.muli %add3A_600, %mul3A_601 : i32
        %add3A_603 = arith.addi %mul3A_2, %mul3A_602 : i32
        %dma_start3A_604 = arith.constant 0 : i32
        %dma_start3A_605 = tpu.memref_slice %arg18[%dma_start3A_604] : memref<224xi32, #tpu.memory_space<vmem>> -> memref<112xi32, #tpu.memory_space<vmem>>
        %dma_start3A_606 = tpu.memref_slice %arg4[%add3A_603] : memref<320000xi32, #tpu.memory_space<hbm>> -> memref<112xi32, #tpu.memory_space<hbm>>
        %dma_start3A_607 = arith.constant 0 : i32
        %dma_start3A_608 = tpu.memref_slice %arg18[%dma_start3A_607] : memref<224xi32, #tpu.memory_space<vmem>> -> memref<112xi32, #tpu.memory_space<vmem>>
        %dma_start3A_609 = tpu.memref_slice %arg4[%add3A_603] : memref<320000xi32, #tpu.memory_space<hbm>> -> memref<112xi32, #tpu.memory_space<hbm>>
        tpu.enqueue_dma source(%dma_start3A_609 : memref<112xi32, #tpu.memory_space<hbm>>) target(%dma_start3A_608 : memref<112xi32, #tpu.memory_space<vmem>>) target_semaphore(%arg29 : memref<!tpu.dma_semaphore, #tpu.memory_space<semaphore_mem>>)
        %dma_start3A_610 = arith.constant 112 : i32
        %dma_start3A_611 = tpu.memref_slice %arg18[%dma_start3A_610] : memref<224xi32, #tpu.memory_space<vmem>> -> memref<112xi32, #tpu.memory_space<vmem>>
        %dma_start3A_612 = tpu.memref_slice %arg5[%add3A_603] : memref<320000xi32, #tpu.memory_space<hbm>> -> memref<112xi32, #tpu.memory_space<hbm>>
        %dma_start3A_613 = arith.constant 112 : i32
        %dma_start3A_614 = tpu.memref_slice %arg18[%dma_start3A_613] : memref<224xi32, #tpu.memory_space<vmem>> -> memref<112xi32, #tpu.memory_space<vmem>>
        %dma_start3A_615 = tpu.memref_slice %arg5[%add3A_603] : memref<320000xi32, #tpu.memory_space<hbm>> -> memref<112xi32, #tpu.memory_space<hbm>>
        tpu.enqueue_dma source(%dma_start3A_615 : memref<112xi32, #tpu.memory_space<hbm>>) target(%dma_start3A_614 : memref<112xi32, #tpu.memory_space<vmem>>) target_semaphore(%arg29 : memref<!tpu.dma_semaphore, #tpu.memory_space<semaphore_mem>>)
      } else {
      }
      %dma_wait3A_584 = arith.constant 0 : i32
      %dma_wait3A_585 = arith.constant 0 : i32
      %dma_wait3A_586 = tpu.memref_slice %arg2[%dma_wait3A_584, %dma_wait3A_585] : memref<10000x128xf32, #tpu.memory_space<hbm>> -> memref<112x128xf32, #tpu.memory_space<hbm>>
      %dma_wait3A_587 = arith.constant 0 : i32
      %dma_wait3A_588 = arith.constant 0 : i32
      %dma_wait3A_589 = tpu.memref_slice %arg2[%dma_wait3A_587, %dma_wait3A_588] : memref<10000x128xf32, #tpu.memory_space<hbm>> -> memref<112x128xf32, #tpu.memory_space<hbm>>
      tpu.wait_dma2 semaphore(%arg30 : memref<!tpu.dma_semaphore, #tpu.memory_space<semaphore_mem>>) src(%dma_wait3A_589 : memref<112x128xf32, #tpu.memory_space<hbm>>) dst(%arg21 : memref<112x128xf32, #tpu.memory_space<vmem>>)
      %dma_wait3A_590 = arith.constant 0 : i32
      %dma_wait3A_591 = tpu.memref_slice %arg3[%dma_wait3A_590] : memref<10000xf32, #tpu.memory_space<hbm>> -> memref<112xf32, #tpu.memory_space<hbm>>
      %dma_wait3A_592 = arith.constant 0 : i32
      %dma_wait3A_593 = tpu.memref_slice %arg3[%dma_wait3A_592] : memref<10000xf32, #tpu.memory_space<hbm>> -> memref<112xf32, #tpu.memory_space<hbm>>
      tpu.wait_dma2 semaphore(%arg31 : memref<!tpu.dma_semaphore, #tpu.memory_space<semaphore_mem>>) src(%dma_wait3A_593 : memref<112xf32, #tpu.memory_space<hbm>>) dst(%arg22 : memref<112xf32, #tpu.memory_space<vmem>>)
      %dma_start3A_594 = arith.constant 0 : i32
      %dma_start3A_595 = arith.constant 0 : i32
      %dma_start3A_596 = tpu.memref_slice %arg23[%dma_start3A_594, %dma_start3A_595] : memref<10000x128xf32, #tpu.memory_space<vmem_shared>> -> memref<10000x128xf32, #tpu.memory_space<vmem_shared>>
      tpu.enqueue_indirect_dma source(%arg21 : memref<112x128xf32, #tpu.memory_space<vmem>>) target(%dma_start3A_596 : memref<10000x128xf32, #tpu.memory_space<vmem_shared>>) offsets(%arg20 : memref<112xi32, #tpu.memory_space<vmem>>) semaphore(%arg32 : memref<!tpu.dma_semaphore, #tpu.memory_space<semaphore_mem>>) {add = true}
      %dma_start3A_597 = arith.constant 0 : i32
      %dma_start3A_598 = tpu.memref_slice %arg24[%dma_start3A_597] : memref<10240xf32, #tpu.memory_space<vmem_shared>> -> memref<10240xf32, #tpu.memory_space<vmem_shared>>
      tpu.enqueue_indirect_dma source(%arg22 : memref<112xf32, #tpu.memory_space<vmem>>) target(%dma_start3A_598 : memref<10240xf32, #tpu.memory_space<vmem_shared>>) offsets(%arg20 : memref<112xi32, #tpu.memory_space<vmem>>) semaphore(%arg32 : memref<!tpu.dma_semaphore, #tpu.memory_space<semaphore_mem>>) {add = true}
    }
    %scan3A_158 = arith.constant 44 : i32
    %dma_wait3A_159 = arith.constant 0 : i32
    %dma_wait3A_160 = arith.constant 0 : i32
    %dma_wait3A_161 = tpu.memref_slice %arg2[%dma_wait3A_159, %dma_wait3A_160] : memref<10000x128xf32, #tpu.memory_space<hbm>> -> memref<112x128xf32, #tpu.memory_space<hbm>>
    %dma_wait3A_162 = arith.constant 0 : i32
    %dma_wait3A_163 = arith.constant 0 : i32
    %dma_wait3A_164 = tpu.memref_slice %arg2[%dma_wait3A_162, %dma_wait3A_163] : memref<10000x128xf32, #tpu.memory_space<hbm>> -> memref<112x128xf32, #tpu.memory_space<hbm>>
    tpu.wait_dma2 semaphore(%arg32 : memref<!tpu.dma_semaphore, #tpu.memory_space<semaphore_mem>>) src(%dma_wait3A_164 : memref<112x128xf32, #tpu.memory_space<hbm>>) dst(%arg21 : memref<112x128xf32, #tpu.memory_space<vmem>>)
    %dma_wait3A_165 = arith.constant 0 : i32
    %dma_wait3A_166 = tpu.memref_slice %arg3[%dma_wait3A_165] : memref<10000xf32, #tpu.memory_space<hbm>> -> memref<112xf32, #tpu.memory_space<hbm>>
    %dma_wait3A_167 = arith.constant 0 : i32
    %dma_wait3A_168 = tpu.memref_slice %arg3[%dma_wait3A_167] : memref<10000xf32, #tpu.memory_space<hbm>> -> memref<112xf32, #tpu.memory_space<hbm>>
    tpu.wait_dma2 semaphore(%arg32 : memref<!tpu.dma_semaphore, #tpu.memory_space<semaphore_mem>>) src(%dma_wait3A_168 : memref<112xf32, #tpu.memory_space<hbm>>) dst(%arg22 : memref<112xf32, #tpu.memory_space<vmem>>)
    %dma_wait3A_169 = arith.constant 0 : i32
    %dma_wait3A_170 = arith.constant 0 : i32
    %dma_wait3A_171 = tpu.memref_slice %arg2[%dma_wait3A_169, %dma_wait3A_170] : memref<10000x128xf32, #tpu.memory_space<hbm>> -> memref<112x128xf32, #tpu.memory_space<hbm>>
    %dma_wait3A_172 = arith.constant 0 : i32
    %dma_wait3A_173 = arith.constant 0 : i32
    %dma_wait3A_174 = tpu.memref_slice %arg2[%dma_wait3A_172, %dma_wait3A_173] : memref<10000x128xf32, #tpu.memory_space<hbm>> -> memref<112x128xf32, #tpu.memory_space<hbm>>
    tpu.wait_dma2 semaphore(%arg26 : memref<!tpu.dma_semaphore, #tpu.memory_space<semaphore_mem>>) src(%dma_wait3A_174 : memref<112x128xf32, #tpu.memory_space<hbm>>) dst(%arg16 : memref<112x128xf32, #tpu.memory_space<vmem>>)
    %dma_wait3A_175 = arith.constant 0 : i32
    %dma_wait3A_176 = tpu.memref_slice %arg3[%dma_wait3A_175] : memref<10000xf32, #tpu.memory_space<hbm>> -> memref<112xf32, #tpu.memory_space<hbm>>
    %dma_wait3A_177 = arith.constant 0 : i32
    %dma_wait3A_178 = tpu.memref_slice %arg3[%dma_wait3A_177] : memref<10000xf32, #tpu.memory_space<hbm>> -> memref<112xf32, #tpu.memory_space<hbm>>
    tpu.wait_dma2 semaphore(%arg27 : memref<!tpu.dma_semaphore, #tpu.memory_space<semaphore_mem>>) src(%dma_wait3A_178 : memref<112xf32, #tpu.memory_space<hbm>>) dst(%arg17 : memref<112xf32, #tpu.memory_space<vmem>>)
    %dma_start3A_179 = arith.constant 0 : i32
    %dma_start3A_180 = arith.constant 0 : i32
    %dma_start3A_181 = tpu.memref_slice %arg23[%dma_start3A_179, %dma_start3A_180] : memref<10000x128xf32, #tpu.memory_space<vmem_shared>> -> memref<10000x128xf32, #tpu.memory_space<vmem_shared>>
    tpu.enqueue_indirect_dma source(%arg16 : memref<112x128xf32, #tpu.memory_space<vmem>>) target(%dma_start3A_181 : memref<10000x128xf32, #tpu.memory_space<vmem_shared>>) offsets(%arg15 : memref<112xi32, #tpu.memory_space<vmem>>) semaphore(%arg28 : memref<!tpu.dma_semaphore, #tpu.memory_space<semaphore_mem>>) {add = true}
    %dma_start3A_182 = arith.constant 0 : i32
    %dma_start3A_183 = tpu.memref_slice %arg24[%dma_start3A_182] : memref<10240xf32, #tpu.memory_space<vmem_shared>> -> memref<10240xf32, #tpu.memory_space<vmem_shared>>
    tpu.enqueue_indirect_dma source(%arg17 : memref<112xf32, #tpu.memory_space<vmem>>) target(%dma_start3A_183 : memref<10240xf32, #tpu.memory_space<vmem_shared>>) offsets(%arg15 : memref<112xi32, #tpu.memory_space<vmem>>) semaphore(%arg28 : memref<!tpu.dma_semaphore, #tpu.memory_space<semaphore_mem>>) {add = true}
    %add3A_184 = arith.constant 9968 : i32
    %add3A_185 = arith.addi %mul3A_2, %add3A_184 : i32
    "tpu.region"() ({
      %run_scoped3A = tpu.sem_alloc : memref<!tpu.dma_semaphore, #tpu.memory_space<semaphore_mem>>
      %dma_start3A_299 = arith.constant 0 : i32
      %dma_start3A_300 = tpu.memref_slice %arg12[%dma_start3A_299] : memref<64xi32, #tpu.memory_space<vmem>> -> memref<32xi32, #tpu.memory_space<vmem>>
      %dma_start3A_301 = tpu.memref_slice %arg4[%add3A_185] : memref<320000xi32, #tpu.memory_space<hbm>> -> memref<32xi32, #tpu.memory_space<hbm>>
      %dma_start3A_302 = arith.constant 0 : i32
      %dma_start3A_303 = tpu.memref_slice %arg12[%dma_start3A_302] : memref<64xi32, #tpu.memory_space<vmem>> -> memref<32xi32, #tpu.memory_space<vmem>>
      %dma_start3A_304 = tpu.memref_slice %arg4[%add3A_185] : memref<320000xi32, #tpu.memory_space<hbm>> -> memref<32xi32, #tpu.memory_space<hbm>>
      tpu.enqueue_dma source(%dma_start3A_304 : memref<32xi32, #tpu.memory_space<hbm>>) target(%dma_start3A_303 : memref<32xi32, #tpu.memory_space<vmem>>) target_semaphore(%run_scoped3A : memref<!tpu.dma_semaphore, #tpu.memory_space<semaphore_mem>>)
      %dma_wait3A_305 = arith.constant 0 : i32
      %dma_wait3A_306 = tpu.memref_slice %arg12[%dma_wait3A_305] : memref<64xi32, #tpu.memory_space<vmem>> -> memref<32xi32, #tpu.memory_space<vmem>>
      %dma_wait3A_307 = tpu.memref_slice %arg4[%add3A_185] : memref<320000xi32, #tpu.memory_space<hbm>> -> memref<32xi32, #tpu.memory_space<hbm>>
      %dma_wait3A_308 = arith.constant 0 : i32
      %dma_wait3A_309 = tpu.memref_slice %arg12[%dma_wait3A_308] : memref<64xi32, #tpu.memory_space<vmem>> -> memref<32xi32, #tpu.memory_space<vmem>>
      %dma_wait3A_310 = tpu.memref_slice %arg4[%add3A_185] : memref<320000xi32, #tpu.memory_space<hbm>> -> memref<32xi32, #tpu.memory_space<hbm>>
      tpu.wait_dma2 semaphore(%run_scoped3A : memref<!tpu.dma_semaphore, #tpu.memory_space<semaphore_mem>>) src(%dma_wait3A_310 : memref<32xi32, #tpu.memory_space<hbm>>) dst(%dma_wait3A_309 : memref<32xi32, #tpu.memory_space<vmem>>)
      tpu.yield
    }) : () -> ()
    "tpu.region"() ({
      %run_scoped3A = tpu.sem_alloc : memref<!tpu.dma_semaphore, #tpu.memory_space<semaphore_mem>>
      %dma_start3A_299 = arith.constant 32 : i32
      %dma_start3A_300 = tpu.memref_slice %arg12[%dma_start3A_299] : memref<64xi32, #tpu.memory_space<vmem>> -> memref<32xi32, #tpu.memory_space<vmem>>
      %dma_start3A_301 = tpu.memref_slice %arg5[%add3A_185] : memref<320000xi32, #tpu.memory_space<hbm>> -> memref<32xi32, #tpu.memory_space<hbm>>
      %dma_start3A_302 = arith.constant 32 : i32
      %dma_start3A_303 = tpu.memref_slice %arg12[%dma_start3A_302] : memref<64xi32, #tpu.memory_space<vmem>> -> memref<32xi32, #tpu.memory_space<vmem>>
      %dma_start3A_304 = tpu.memref_slice %arg5[%add3A_185] : memref<320000xi32, #tpu.memory_space<hbm>> -> memref<32xi32, #tpu.memory_space<hbm>>
      tpu.enqueue_dma source(%dma_start3A_304 : memref<32xi32, #tpu.memory_space<hbm>>) target(%dma_start3A_303 : memref<32xi32, #tpu.memory_space<vmem>>) target_semaphore(%run_scoped3A : memref<!tpu.dma_semaphore, #tpu.memory_space<semaphore_mem>>)
      %dma_wait3A_305 = arith.constant 32 : i32
      %dma_wait3A_306 = tpu.memref_slice %arg12[%dma_wait3A_305] : memref<64xi32, #tpu.memory_space<vmem>> -> memref<32xi32, #tpu.memory_space<vmem>>
      %dma_wait3A_307 = tpu.memref_slice %arg5[%add3A_185] : memref<320000xi32, #tpu.memory_space<hbm>> -> memref<32xi32, #tpu.memory_space<hbm>>
      %dma_wait3A_308 = arith.constant 32 : i32
      %dma_wait3A_309 = tpu.memref_slice %arg12[%dma_wait3A_308] : memref<64xi32, #tpu.memory_space<vmem>> -> memref<32xi32, #tpu.memory_space<vmem>>
      %dma_wait3A_310 = tpu.memref_slice %arg5[%add3A_185] : memref<320000xi32, #tpu.memory_space<hbm>> -> memref<32xi32, #tpu.memory_space<hbm>>
      tpu.wait_dma2 semaphore(%run_scoped3A : memref<!tpu.dma_semaphore, #tpu.memory_space<semaphore_mem>>) src(%dma_wait3A_310 : memref<32xi32, #tpu.memory_space<hbm>>) dst(%dma_wait3A_309 : memref<32xi32, #tpu.memory_space<vmem>>)
      tpu.yield
    }) : () -> ()
    %get3A_186 = arith.constant 0 : index
    %get3A_187 = tpu.vector_load %arg12[%get3A_186] {strides = array<i32>} : memref<64xi32, #tpu.memory_space<vmem>>, vector<16xi32>,
    %get3A_188 = vector.shape_cast %get3A_187 : vector<16xi32> to vector<16xi32>
    %swap3A_189 = arith.constant 0 : index
    %swap3A_190 = tpu.vector_load %arg10[%swap3A_189] {strides = array<i32>} : memref<32xi32, #tpu.memory_space<vmem>>, vector<16xi32>,
    %swap3A_191 = vector.shape_cast %swap3A_190 : vector<16xi32> to vector<16xi32>
    %swap3A_192 = vector.shape_cast %get3A_188 : vector<16xi32> to vector<16xi32>
    tpu.vector_store %arg10[%swap3A_189], %swap3A_192 {strides = array<i32>} : memref<32xi32, #tpu.memory_space<vmem>>, vector<16xi32>,
    %get3A_193 = arith.constant 16 : index
    %get3A_194 = tpu.vector_load %arg12[%get3A_193] {strides = array<i32>} : memref<64xi32, #tpu.memory_space<vmem>>, vector<16xi32>,
    %get3A_195 = vector.shape_cast %get3A_194 : vector<16xi32> to vector<16xi32>
    %swap3A_196 = arith.constant 16 : index
    %swap3A_197 = tpu.vector_load %arg10[%swap3A_196] {strides = array<i32>} : memref<32xi32, #tpu.memory_space<vmem>>, vector<16xi32>,
    %swap3A_198 = vector.shape_cast %swap3A_197 : vector<16xi32> to vector<16xi32>
    %swap3A_199 = vector.shape_cast %get3A_195 : vector<16xi32> to vector<16xi32>
    tpu.vector_store %arg10[%swap3A_196], %swap3A_199 {strides = array<i32>} : memref<32xi32, #tpu.memory_space<vmem>>, vector<16xi32>,
    %get3A_200 = arith.constant 32 : index
    %get3A_201 = tpu.vector_load %arg12[%get3A_200] {strides = array<i32>} : memref<64xi32, #tpu.memory_space<vmem>>, vector<16xi32>,
    %get3A_202 = vector.shape_cast %get3A_201 : vector<16xi32> to vector<16xi32>
    %swap3A_203 = arith.constant 0 : index
    %swap3A_204 = tpu.vector_load %arg11[%swap3A_203] {strides = array<i32>} : memref<32xi32, #tpu.memory_space<vmem>>, vector<16xi32>,
    %swap3A_205 = vector.shape_cast %swap3A_204 : vector<16xi32> to vector<16xi32>
    %swap3A_206 = vector.shape_cast %get3A_202 : vector<16xi32> to vector<16xi32>
    tpu.vector_store %arg11[%swap3A_203], %swap3A_206 {strides = array<i32>} : memref<32xi32, #tpu.memory_space<vmem>>, vector<16xi32>,
    %get3A_207 = arith.constant 48 : index
    %get3A_208 = tpu.vector_load %arg12[%get3A_207] {strides = array<i32>} : memref<64xi32, #tpu.memory_space<vmem>>, vector<16xi32>,
    %get3A_209 = vector.shape_cast %get3A_208 : vector<16xi32> to vector<16xi32>
    %swap3A_210 = arith.constant 16 : index
    %swap3A_211 = tpu.vector_load %arg11[%swap3A_210] {strides = array<i32>} : memref<32xi32, #tpu.memory_space<vmem>>, vector<16xi32>,
    %swap3A_212 = vector.shape_cast %swap3A_211 : vector<16xi32> to vector<16xi32>
    %swap3A_213 = vector.shape_cast %get3A_209 : vector<16xi32> to vector<16xi32>
    tpu.vector_store %arg11[%swap3A_210], %swap3A_213 {strides = array<i32>} : memref<32xi32, #tpu.memory_space<vmem>>, vector<16xi32>,
    %dma_start3A_214 = arith.constant 0 : i32
    %dma_start3A_215 = arith.constant 0 : i32
    %dma_start3A_216 = tpu.memref_slice %arg21[%dma_start3A_214, %dma_start3A_215] : memref<112x128xf32, #tpu.memory_space<vmem>> -> memref<32x128xf32, #tpu.memory_space<vmem>>
    %dma_start3A_217 = arith.constant 0 : i32
    %dma_start3A_218 = arith.constant 0 : i32
    %dma_start3A_219 = tpu.memref_slice %arg2[%dma_start3A_217, %dma_start3A_218] : memref<10000x128xf32, #tpu.memory_space<hbm>> -> memref<10000x128xf32, #tpu.memory_space<hbm>>
    tpu.enqueue_indirect_dma source(%dma_start3A_219 : memref<10000x128xf32, #tpu.memory_space<hbm>>) target(%dma_start3A_216 : memref<32x128xf32, #tpu.memory_space<vmem>>) offsets(%arg10 : memref<32xi32, #tpu.memory_space<vmem>>) semaphore(%arg30 : memref<!tpu.dma_semaphore, #tpu.memory_space<semaphore_mem>>)
    %dma_start3A_220 = arith.constant 0 : i32
    %dma_start3A_221 = tpu.memref_slice %arg22[%dma_start3A_220] : memref<112xf32, #tpu.memory_space<vmem>> -> memref<32xf32, #tpu.memory_space<vmem>>
    %dma_start3A_222 = arith.constant 0 : i32
    %dma_start3A_223 = tpu.memref_slice %arg3[%dma_start3A_222] : memref<10000xf32, #tpu.memory_space<hbm>> -> memref<10000xf32, #tpu.memory_space<hbm>>
    tpu.enqueue_indirect_dma source(%dma_start3A_223 : memref<10000xf32, #tpu.memory_space<hbm>>) target(%dma_start3A_221 : memref<32xf32, #tpu.memory_space<vmem>>) offsets(%arg10 : memref<32xi32, #tpu.memory_space<vmem>>) semaphore(%arg31 : memref<!tpu.dma_semaphore, #tpu.memory_space<semaphore_mem>>)
    %dma_wait3A_224 = arith.constant 0 : i32
    %dma_wait3A_225 = arith.constant 0 : i32
    %dma_wait3A_226 = tpu.memref_slice %arg21[%dma_wait3A_224, %dma_wait3A_225] : memref<112x128xf32, #tpu.memory_space<vmem>> -> memref<32x128xf32, #tpu.memory_space<vmem>>
    %dma_wait3A_227 = arith.constant 0 : i32
    %dma_wait3A_228 = arith.constant 0 : i32
    %dma_wait3A_229 = tpu.memref_slice %arg2[%dma_wait3A_227, %dma_wait3A_228] : memref<10000x128xf32, #tpu.memory_space<hbm>> -> memref<32x128xf32, #tpu.memory_space<hbm>>
    %dma_wait3A_230 = arith.constant 0 : i32
    %dma_wait3A_231 = arith.constant 0 : i32
    %dma_wait3A_232 = tpu.memref_slice %arg21[%dma_wait3A_230, %dma_wait3A_231] : memref<112x128xf32, #tpu.memory_space<vmem>> -> memref<32x128xf32, #tpu.memory_space<vmem>>
    %dma_wait3A_233 = arith.constant 0 : i32
    %dma_wait3A_234 = arith.constant 0 : i32
    %dma_wait3A_235 = tpu.memref_slice %arg2[%dma_wait3A_233, %dma_wait3A_234] : memref<10000x128xf32, #tpu.memory_space<hbm>> -> memref<32x128xf32, #tpu.memory_space<hbm>>
    tpu.wait_dma2 semaphore(%arg30 : memref<!tpu.dma_semaphore, #tpu.memory_space<semaphore_mem>>) src(%dma_wait3A_235 : memref<32x128xf32, #tpu.memory_space<hbm>>) dst(%dma_wait3A_232 : memref<32x128xf32, #tpu.memory_space<vmem>>)
    %dma_wait3A_236 = arith.constant 0 : i32
    %dma_wait3A_237 = tpu.memref_slice %arg22[%dma_wait3A_236] : memref<112xf32, #tpu.memory_space<vmem>> -> memref<32xf32, #tpu.memory_space<vmem>>
    %dma_wait3A_238 = arith.constant 0 : i32
    %dma_wait3A_239 = tpu.memref_slice %arg3[%dma_wait3A_238] : memref<10000xf32, #tpu.memory_space<hbm>> -> memref<32xf32, #tpu.memory_space<hbm>>
    %dma_wait3A_240 = arith.constant 0 : i32
    %dma_wait3A_241 = tpu.memref_slice %arg22[%dma_wait3A_240] : memref<112xf32, #tpu.memory_space<vmem>> -> memref<32xf32, #tpu.memory_space<vmem>>
    %dma_wait3A_242 = arith.constant 0 : i32
    %dma_wait3A_243 = tpu.memref_slice %arg3[%dma_wait3A_242] : memref<10000xf32, #tpu.memory_space<hbm>> -> memref<32xf32, #tpu.memory_space<hbm>>
    tpu.wait_dma2 semaphore(%arg31 : memref<!tpu.dma_semaphore, #tpu.memory_space<semaphore_mem>>) src(%dma_wait3A_243 : memref<32xf32, #tpu.memory_space<hbm>>) dst(%dma_wait3A_241 : memref<32xf32, #tpu.memory_space<vmem>>)
    %dma_start3A_244 = arith.constant 0 : i32
    %dma_start3A_245 = arith.constant 0 : i32
    %dma_start3A_246 = tpu.memref_slice %arg21[%dma_start3A_244, %dma_start3A_245] : memref<112x128xf32, #tpu.memory_space<vmem>> -> memref<32x128xf32, #tpu.memory_space<vmem>>
    %dma_start3A_247 = arith.constant 0 : i32
    %dma_start3A_248 = arith.constant 0 : i32
    %dma_start3A_249 = tpu.memref_slice %arg23[%dma_start3A_247, %dma_start3A_248] : memref<10000x128xf32, #tpu.memory_space<vmem_shared>> -> memref<10000x128xf32, #tpu.memory_space<vmem_shared>>
    tpu.enqueue_indirect_dma source(%dma_start3A_246 : memref<32x128xf32, #tpu.memory_space<vmem>>) target(%dma_start3A_249 : memref<10000x128xf32, #tpu.memory_space<vmem_shared>>) offsets(%arg11 : memref<32xi32, #tpu.memory_space<vmem>>) semaphore(%arg32 : memref<!tpu.dma_semaphore, #tpu.memory_space<semaphore_mem>>) {add = true}
    %dma_start3A_250 = arith.constant 0 : i32
    %dma_start3A_251 = tpu.memref_slice %arg22[%dma_start3A_250] : memref<112xf32, #tpu.memory_space<vmem>> -> memref<32xf32, #tpu.memory_space<vmem>>
    %dma_start3A_252 = arith.constant 0 : i32
    %dma_start3A_253 = tpu.memref_slice %arg24[%dma_start3A_252] : memref<10240xf32, #tpu.memory_space<vmem_shared>> -> memref<10240xf32, #tpu.memory_space<vmem_shared>>
    tpu.enqueue_indirect_dma source(%dma_start3A_251 : memref<32xf32, #tpu.memory_space<vmem>>) target(%dma_start3A_253 : memref<10240xf32, #tpu.memory_space<vmem_shared>>) offsets(%arg11 : memref<32xi32, #tpu.memory_space<vmem>>) semaphore(%arg32 : memref<!tpu.dma_semaphore, #tpu.memory_space<semaphore_mem>>) {add = true}
    %dma_wait3A_254 = arith.constant 0 : i32
    %dma_wait3A_255 = arith.constant 0 : i32
    %dma_wait3A_256 = tpu.memref_slice %arg21[%dma_wait3A_254, %dma_wait3A_255] : memref<112x128xf32, #tpu.memory_space<vmem>> -> memref<32x128xf32, #tpu.memory_space<vmem>>
    %dma_wait3A_257 = arith.constant 0 : i32
    %dma_wait3A_258 = arith.constant 0 : i32
    %dma_wait3A_259 = tpu.memref_slice %arg2[%dma_wait3A_257, %dma_wait3A_258] : memref<10000x128xf32, #tpu.memory_space<hbm>> -> memref<32x128xf32, #tpu.memory_space<hbm>>
    %dma_wait3A_260 = arith.constant 0 : i32
    %dma_wait3A_261 = arith.constant 0 : i32
    %dma_wait3A_262 = tpu.memref_slice %arg21[%dma_wait3A_260, %dma_wait3A_261] : memref<112x128xf32, #tpu.memory_space<vmem>> -> memref<32x128xf32, #tpu.memory_space<vmem>>
    %dma_wait3A_263 = arith.constant 0 : i32
    %dma_wait3A_264 = arith.constant 0 : i32
    %dma_wait3A_265 = tpu.memref_slice %arg2[%dma_wait3A_263, %dma_wait3A_264] : memref<10000x128xf32, #tpu.memory_space<hbm>> -> memref<32x128xf32, #tpu.memory_space<hbm>>
    tpu.wait_dma2 semaphore(%arg32 : memref<!tpu.dma_semaphore, #tpu.memory_space<semaphore_mem>>) src(%dma_wait3A_265 : memref<32x128xf32, #tpu.memory_space<hbm>>) dst(%dma_wait3A_262 : memref<32x128xf32, #tpu.memory_space<vmem>>)
    %dma_wait3A_266 = arith.constant 0 : i32
    %dma_wait3A_267 = tpu.memref_slice %arg22[%dma_wait3A_266] : memref<112xf32, #tpu.memory_space<vmem>> -> memref<32xf32, #tpu.memory_space<vmem>>
    %dma_wait3A_268 = arith.constant 0 : i32
    %dma_wait3A_269 = tpu.memref_slice %arg3[%dma_wait3A_268] : memref<10000xf32, #tpu.memory_space<hbm>> -> memref<32xf32, #tpu.memory_space<hbm>>
    %dma_wait3A_270 = arith.constant 0 : i32
    %dma_wait3A_271 = tpu.memref_slice %arg22[%dma_wait3A_270] : memref<112xf32, #tpu.memory_space<vmem>> -> memref<32xf32, #tpu.memory_space<vmem>>
    %dma_wait3A_272 = arith.constant 0 : i32
    %dma_wait3A_273 = tpu.memref_slice %arg3[%dma_wait3A_272] : memref<10000xf32, #tpu.memory_space<hbm>> -> memref<32xf32, #tpu.memory_space<hbm>>
    tpu.wait_dma2 semaphore(%arg32 : memref<!tpu.dma_semaphore, #tpu.memory_space<semaphore_mem>>) src(%dma_wait3A_273 : memref<32xf32, #tpu.memory_space<hbm>>) dst(%dma_wait3A_271 : memref<32xf32, #tpu.memory_space<vmem>>)
    %dma_wait3A_274 = arith.constant 0 : i32
    %dma_wait3A_275 = arith.constant 0 : i32
    %dma_wait3A_276 = tpu.memref_slice %arg2[%dma_wait3A_274, %dma_wait3A_275] : memref<10000x128xf32, #tpu.memory_space<hbm>> -> memref<112x128xf32, #tpu.memory_space<hbm>>
    %dma_wait3A_277 = arith.constant 0 : i32
    %dma_wait3A_278 = arith.constant 0 : i32
    %dma_wait3A_279 = tpu.memref_slice %arg2[%dma_wait3A_277, %dma_wait3A_278] : memref<10000x128xf32, #tpu.memory_space<hbm>> -> memref<112x128xf32, #tpu.memory_space<hbm>>
    tpu.wait_dma2 semaphore(%arg28 : memref<!tpu.dma_semaphore, #tpu.memory_space<semaphore_mem>>) src(%dma_wait3A_279 : memref<112x128xf32, #tpu.memory_space<hbm>>) dst(%arg16 : memref<112x128xf32, #tpu.memory_space<vmem>>)
    %dma_wait3A_280 = arith.constant 0 : i32
    %dma_wait3A_281 = tpu.memref_slice %arg3[%dma_wait3A_280] : memref<10000xf32, #tpu.memory_space<hbm>> -> memref<112xf32, #tpu.memory_space<hbm>>
    %dma_wait3A_282 = arith.constant 0 : i32
    %dma_wait3A_283 = tpu.memref_slice %arg3[%dma_wait3A_282] : memref<10000xf32, #tpu.memory_space<hbm>> -> memref<112xf32, #tpu.memory_space<hbm>>
    tpu.wait_dma2 semaphore(%arg28 : memref<!tpu.dma_semaphore, #tpu.memory_space<semaphore_mem>>) src(%dma_wait3A_283 : memref<112xf32, #tpu.memory_space<hbm>>) dst(%arg17 : memref<112xf32, #tpu.memory_space<vmem>>)
    %barrier3A_284 = arith.constant 0 : index
    tpu.barrier barrier_id(%barrier3A_284)
    %lt3A_285 = arith.constant 15 : i32
    %lt3A_286 = arith.cmpi slt, %arg1, %lt3A_285 : i32
    %convert_element_type3A_287 = arith.extui %lt3A_286 : i1 to i32
    %cond3A_288 = arith.constant 0 : i32
    %cond3A_289 = arith.cmpi ne, %convert_element_type3A_287, %cond3A_288 : i32
    scf.if %cond3A_289 {
      %mul3A_299 = arith.constant 624 : i32
      %mul3A_300 = arith.muli %arg1, %mul3A_299 : i32
      "tpu.region"() ({
        %run_scoped3A = tpu.sem_alloc : memref<!tpu.dma_semaphore, #tpu.memory_space<semaphore_mem>>
        %dma_start3A_311 = arith.constant 0 : i32
        %dma_start3A_312 = tpu.memref_slice %arg8[%arg0, %mul3A_300, %dma_start3A_311] : memref<2x10000x128xf32, #tpu.memory_space<hbm>> -> memref<1x128x128xf32, #tpu.memory_space<hbm>>
        %dma_start3A_313 = tpu.memref_squeeze %dma_start3A_312 : memref<1x128x128xf32, #tpu.memory_space<hbm>> -> memref<128x128xf32, #tpu.memory_space<hbm>>
        %dma_start3A_314 = arith.constant 0 : i32
        %dma_start3A_315 = tpu.memref_slice %arg23[%mul3A_300, %dma_start3A_314] : memref<10000x128xf32, #tpu.memory_space<vmem_shared>> -> memref<128x128xf32, #tpu.memory_space<vmem_shared>>
        tpu.enqueue_dma source(%dma_start3A_315 : memref<128x128xf32, #tpu.memory_space<vmem_shared>>) target(%dma_start3A_313 : memref<128x128xf32, #tpu.memory_space<hbm>>) target_semaphore(%run_scoped3A : memref<!tpu.dma_semaphore, #tpu.memory_space<semaphore_mem>>)
        %dma_wait3A_316 = arith.constant 0 : i32
        %dma_wait3A_317 = tpu.memref_slice %arg8[%arg0, %mul3A_300, %dma_wait3A_316] : memref<2x10000x128xf32, #tpu.memory_space<hbm>> -> memref<1x128x128xf32, #tpu.memory_space<hbm>>
        %dma_wait3A_318 = tpu.memref_squeeze %dma_wait3A_317 : memref<1x128x128xf32, #tpu.memory_space<hbm>> -> memref<128x128xf32, #tpu.memory_space<hbm>>
        %dma_wait3A_319 = arith.constant 0 : i32
        %dma_wait3A_320 = tpu.memref_slice %arg23[%mul3A_300, %dma_wait3A_319] : memref<10000x128xf32, #tpu.memory_space<vmem_shared>> -> memref<128x128xf32, #tpu.memory_space<vmem_shared>>
        tpu.wait_dma2 semaphore(%run_scoped3A : memref<!tpu.dma_semaphore, #tpu.memory_space<semaphore_mem>>) src(%dma_wait3A_320 : memref<128x128xf32, #tpu.memory_space<vmem_shared>>) dst(%dma_wait3A_318 : memref<128x128xf32, #tpu.memory_space<hbm>>)
        tpu.yield
      }) : () -> ()
      %add3A_301 = arith.constant 128 : i32
      %add3A_302 = arith.addi %mul3A_300, %add3A_301 : i32
      "tpu.region"() ({
        %run_scoped3A = tpu.sem_alloc : memref<!tpu.dma_semaphore, #tpu.memory_space<semaphore_mem>>
        %dma_start3A_311 = arith.constant 0 : i32
        %dma_start3A_312 = tpu.memref_slice %arg8[%arg0, %add3A_302, %dma_start3A_311] : memref<2x10000x128xf32, #tpu.memory_space<hbm>> -> memref<1x128x128xf32, #tpu.memory_space<hbm>>
        %dma_start3A_313 = tpu.memref_squeeze %dma_start3A_312 : memref<1x128x128xf32, #tpu.memory_space<hbm>> -> memref<128x128xf32, #tpu.memory_space<hbm>>
        %dma_start3A_314 = arith.constant 0 : i32
        %dma_start3A_315 = tpu.memref_slice %arg23[%add3A_302, %dma_start3A_314] : memref<10000x128xf32, #tpu.memory_space<vmem_shared>> -> memref<128x128xf32, #tpu.memory_space<vmem_shared>>
        tpu.enqueue_dma source(%dma_start3A_315 : memref<128x128xf32, #tpu.memory_space<vmem_shared>>) target(%dma_start3A_313 : memref<128x128xf32, #tpu.memory_space<hbm>>) target_semaphore(%run_scoped3A : memref<!tpu.dma_semaphore, #tpu.memory_space<semaphore_mem>>)
        %dma_wait3A_316 = arith.constant 0 : i32
        %dma_wait3A_317 = tpu.memref_slice %arg8[%arg0, %add3A_302, %dma_wait3A_316] : memref<2x10000x128xf32, #tpu.memory_space<hbm>> -> memref<1x128x128xf32, #tpu.memory_space<hbm>>
        %dma_wait3A_318 = tpu.memref_squeeze %dma_wait3A_317 : memref<1x128x128xf32, #tpu.memory_space<hbm>> -> memref<128x128xf32, #tpu.memory_space<hbm>>
        %dma_wait3A_319 = arith.constant 0 : i32
        %dma_wait3A_320 = tpu.memref_slice %arg23[%add3A_302, %dma_wait3A_319] : memref<10000x128xf32, #tpu.memory_space<vmem_shared>> -> memref<128x128xf32, #tpu.memory_space<vmem_shared>>
        tpu.wait_dma2 semaphore(%run_scoped3A : memref<!tpu.dma_semaphore, #tpu.memory_space<semaphore_mem>>) src(%dma_wait3A_320 : memref<128x128xf32, #tpu.memory_space<vmem_shared>>) dst(%dma_wait3A_318 : memref<128x128xf32, #tpu.memory_space<hbm>>)
        tpu.yield
      }) : () -> ()
      %add3A_303 = arith.constant 128 : i32
      %add3A_304 = arith.addi %add3A_302, %add3A_303 : i32
      "tpu.region"() ({
        %run_scoped3A = tpu.sem_alloc : memref<!tpu.dma_semaphore, #tpu.memory_space<semaphore_mem>>
        %dma_start3A_311 = arith.constant 0 : i32
        %dma_start3A_312 = tpu.memref_slice %arg8[%arg0, %add3A_304, %dma_start3A_311] : memref<2x10000x128xf32, #tpu.memory_space<hbm>> -> memref<1x128x128xf32, #tpu.memory_space<hbm>>
        %dma_start3A_313 = tpu.memref_squeeze %dma_start3A_312 : memref<1x128x128xf32, #tpu.memory_space<hbm>> -> memref<128x128xf32, #tpu.memory_space<hbm>>
        %dma_start3A_314 = arith.constant 0 : i32
        %dma_start3A_315 = tpu.memref_slice %arg23[%add3A_304, %dma_start3A_314] : memref<10000x128xf32, #tpu.memory_space<vmem_shared>> -> memref<128x128xf32, #tpu.memory_space<vmem_shared>>
        tpu.enqueue_dma source(%dma_start3A_315 : memref<128x128xf32, #tpu.memory_space<vmem_shared>>) target(%dma_start3A_313 : memref<128x128xf32, #tpu.memory_space<hbm>>) target_semaphore(%run_scoped3A : memref<!tpu.dma_semaphore, #tpu.memory_space<semaphore_mem>>)
        %dma_wait3A_316 = arith.constant 0 : i32
        %dma_wait3A_317 = tpu.memref_slice %arg8[%arg0, %add3A_304, %dma_wait3A_316] : memref<2x10000x128xf32, #tpu.memory_space<hbm>> -> memref<1x128x128xf32, #tpu.memory_space<hbm>>
        %dma_wait3A_318 = tpu.memref_squeeze %dma_wait3A_317 : memref<1x128x128xf32, #tpu.memory_space<hbm>> -> memref<128x128xf32, #tpu.memory_space<hbm>>
        %dma_wait3A_319 = arith.constant 0 : i32
        %dma_wait3A_320 = tpu.memref_slice %arg23[%add3A_304, %dma_wait3A_319] : memref<10000x128xf32, #tpu.memory_space<vmem_shared>> -> memref<128x128xf32, #tpu.memory_space<vmem_shared>>
        tpu.wait_dma2 semaphore(%run_scoped3A : memref<!tpu.dma_semaphore, #tpu.memory_space<semaphore_mem>>) src(%dma_wait3A_320 : memref<128x128xf32, #tpu.memory_space<vmem_shared>>) dst(%dma_wait3A_318 : memref<128x128xf32, #tpu.memory_space<hbm>>)
        tpu.yield
      }) : () -> ()
      %add3A_305 = arith.constant 128 : i32
      %add3A_306 = arith.addi %add3A_304, %add3A_305 : i32
      "tpu.region"() ({
        %run_scoped3A = tpu.sem_alloc : memref<!tpu.dma_semaphore, #tpu.memory_space<semaphore_mem>>
        %dma_start3A_311 = arith.constant 0 : i32
        %dma_start3A_312 = tpu.memref_slice %arg8[%arg0, %add3A_306, %dma_start3A_311] : memref<2x10000x128xf32, #tpu.memory_space<hbm>> -> memref<1x128x128xf32, #tpu.memory_space<hbm>>
        %dma_start3A_313 = tpu.memref_squeeze %dma_start3A_312 : memref<1x128x128xf32, #tpu.memory_space<hbm>> -> memref<128x128xf32, #tpu.memory_space<hbm>>
        %dma_start3A_314 = arith.constant 0 : i32
        %dma_start3A_315 = tpu.memref_slice %arg23[%add3A_306, %dma_start3A_314] : memref<10000x128xf32, #tpu.memory_space<vmem_shared>> -> memref<128x128xf32, #tpu.memory_space<vmem_shared>>
        tpu.enqueue_dma source(%dma_start3A_315 : memref<128x128xf32, #tpu.memory_space<vmem_shared>>) target(%dma_start3A_313 : memref<128x128xf32, #tpu.memory_space<hbm>>) target_semaphore(%run_scoped3A : memref<!tpu.dma_semaphore, #tpu.memory_space<semaphore_mem>>)
        %dma_wait3A_316 = arith.constant 0 : i32
        %dma_wait3A_317 = tpu.memref_slice %arg8[%arg0, %add3A_306, %dma_wait3A_316] : memref<2x10000x128xf32, #tpu.memory_space<hbm>> -> memref<1x128x128xf32, #tpu.memory_space<hbm>>
        %dma_wait3A_318 = tpu.memref_squeeze %dma_wait3A_317 : memref<1x128x128xf32, #tpu.memory_space<hbm>> -> memref<128x128xf32, #tpu.memory_space<hbm>>
        %dma_wait3A_319 = arith.constant 0 : i32
        %dma_wait3A_320 = tpu.memref_slice %arg23[%add3A_306, %dma_wait3A_319] : memref<10000x128xf32, #tpu.memory_space<vmem_shared>> -> memref<128x128xf32, #tpu.memory_space<vmem_shared>>
        tpu.wait_dma2 semaphore(%run_scoped3A : memref<!tpu.dma_semaphore, #tpu.memory_space<semaphore_mem>>) src(%dma_wait3A_320 : memref<128x128xf32, #tpu.memory_space<vmem_shared>>) dst(%dma_wait3A_318 : memref<128x128xf32, #tpu.memory_space<hbm>>)
        tpu.yield
      }) : () -> ()
      %add3A_307 = arith.constant 128 : i32
      %add3A_308 = arith.addi %add3A_306, %add3A_307 : i32
      "tpu.region"() ({
        %run_scoped3A = tpu.sem_alloc : memref<!tpu.dma_semaphore, #tpu.memory_space<semaphore_mem>>
        %dma_start3A_311 = arith.constant 0 : i32
        %dma_start3A_312 = tpu.memref_slice %arg8[%arg0, %add3A_308, %dma_start3A_311] : memref<2x10000x128xf32, #tpu.memory_space<hbm>> -> memref<1x112x128xf32, #tpu.memory_space<hbm>>
        %dma_start3A_313 = tpu.memref_squeeze %dma_start3A_312 : memref<1x112x128xf32, #tpu.memory_space<hbm>> -> memref<112x128xf32, #tpu.memory_space<hbm>>
        %dma_start3A_314 = arith.constant 0 : i32
        %dma_start3A_315 = tpu.memref_slice %arg23[%add3A_308, %dma_start3A_314] : memref<10000x128xf32, #tpu.memory_space<vmem_shared>> -> memref<112x128xf32, #tpu.memory_space<vmem_shared>>
        tpu.enqueue_dma source(%dma_start3A_315 : memref<112x128xf32, #tpu.memory_space<vmem_shared>>) target(%dma_start3A_313 : memref<112x128xf32, #tpu.memory_space<hbm>>) target_semaphore(%run_scoped3A : memref<!tpu.dma_semaphore, #tpu.memory_space<semaphore_mem>>)
        %dma_wait3A_316 = arith.constant 0 : i32
        %dma_wait3A_317 = tpu.memref_slice %arg8[%arg0, %add3A_308, %dma_wait3A_316] : memref<2x10000x128xf32, #tpu.memory_space<hbm>> -> memref<1x112x128xf32, #tpu.memory_space<hbm>>
        %dma_wait3A_318 = tpu.memref_squeeze %dma_wait3A_317 : memref<1x112x128xf32, #tpu.memory_space<hbm>> -> memref<112x128xf32, #tpu.memory_space<hbm>>
        %dma_wait3A_319 = arith.constant 0 : i32
        %dma_wait3A_320 = tpu.memref_slice %arg23[%add3A_308, %dma_wait3A_319] : memref<10000x128xf32, #tpu.memory_space<vmem_shared>> -> memref<112x128xf32, #tpu.memory_space<vmem_shared>>
        tpu.wait_dma2 semaphore(%run_scoped3A : memref<!tpu.dma_semaphore, #tpu.memory_space<semaphore_mem>>) src(%dma_wait3A_320 : memref<112x128xf32, #tpu.memory_space<vmem_shared>>) dst(%dma_wait3A_318 : memref<112x128xf32, #tpu.memory_space<hbm>>)
        tpu.yield
      }) : () -> ()
      %add3A_309 = arith.constant 112 : i32
      %add3A_310 = arith.addi %add3A_308, %add3A_309 : i32
    } else {
    }
    %eq3A_290 = arith.constant 15 : i32
    %eq3A_291 = arith.cmpi eq, %arg1, %eq3A_290 : i32
    %convert_element_type3A_292 = arith.extui %eq3A_291 : i1 to i32
    %cond3A_293 = arith.constant 0 : i32
    %cond3A_294 = arith.cmpi ne, %convert_element_type3A_292, %cond3A_293 : i32
    scf.if %cond3A_294 {
      %mul3A_299 = arith.constant 624 : i32
      %mul3A_300 = arith.muli %arg1, %mul3A_299 : i32
      "tpu.region"() ({
        %run_scoped3A = tpu.sem_alloc : memref<!tpu.dma_semaphore, #tpu.memory_space<semaphore_mem>>
        %dma_start3A_311 = arith.constant 0 : i32
        %dma_start3A_312 = tpu.memref_slice %arg8[%arg0, %mul3A_300, %dma_start3A_311] : memref<2x10000x128xf32, #tpu.memory_space<hbm>> -> memref<1x128x128xf32, #tpu.memory_space<hbm>>
        %dma_start3A_313 = tpu.memref_squeeze %dma_start3A_312 : memref<1x128x128xf32, #tpu.memory_space<hbm>> -> memref<128x128xf32, #tpu.memory_space<hbm>>
        %dma_start3A_314 = arith.constant 0 : i32
        %dma_start3A_315 = tpu.memref_slice %arg23[%mul3A_300, %dma_start3A_314] : memref<10000x128xf32, #tpu.memory_space<vmem_shared>> -> memref<128x128xf32, #tpu.memory_space<vmem_shared>>
        tpu.enqueue_dma source(%dma_start3A_315 : memref<128x128xf32, #tpu.memory_space<vmem_shared>>) target(%dma_start3A_313 : memref<128x128xf32, #tpu.memory_space<hbm>>) target_semaphore(%run_scoped3A : memref<!tpu.dma_semaphore, #tpu.memory_space<semaphore_mem>>)
        %dma_wait3A_316 = arith.constant 0 : i32
        %dma_wait3A_317 = tpu.memref_slice %arg8[%arg0, %mul3A_300, %dma_wait3A_316] : memref<2x10000x128xf32, #tpu.memory_space<hbm>> -> memref<1x128x128xf32, #tpu.memory_space<hbm>>
        %dma_wait3A_318 = tpu.memref_squeeze %dma_wait3A_317 : memref<1x128x128xf32, #tpu.memory_space<hbm>> -> memref<128x128xf32, #tpu.memory_space<hbm>>
        %dma_wait3A_319 = arith.constant 0 : i32
        %dma_wait3A_320 = tpu.memref_slice %arg23[%mul3A_300, %dma_wait3A_319] : memref<10000x128xf32, #tpu.memory_space<vmem_shared>> -> memref<128x128xf32, #tpu.memory_space<vmem_shared>>
        tpu.wait_dma2 semaphore(%run_scoped3A : memref<!tpu.dma_semaphore, #tpu.memory_space<semaphore_mem>>) src(%dma_wait3A_320 : memref<128x128xf32, #tpu.memory_space<vmem_shared>>) dst(%dma_wait3A_318 : memref<128x128xf32, #tpu.memory_space<hbm>>)
        tpu.yield
      }) : () -> ()
      %add3A_301 = arith.constant 128 : i32
      %add3A_302 = arith.addi %mul3A_300, %add3A_301 : i32
      "tpu.region"() ({
        %run_scoped3A = tpu.sem_alloc : memref<!tpu.dma_semaphore, #tpu.memory_space<semaphore_mem>>
        %dma_start3A_311 = arith.constant 0 : i32
        %dma_start3A_312 = tpu.memref_slice %arg8[%arg0, %add3A_302, %dma_start3A_311] : memref<2x10000x128xf32, #tpu.memory_space<hbm>> -> memref<1x128x128xf32, #tpu.memory_space<hbm>>
        %dma_start3A_313 = tpu.memref_squeeze %dma_start3A_312 : memref<1x128x128xf32, #tpu.memory_space<hbm>> -> memref<128x128xf32, #tpu.memory_space<hbm>>
        %dma_start3A_314 = arith.constant 0 : i32
        %dma_start3A_315 = tpu.memref_slice %arg23[%add3A_302, %dma_start3A_314] : memref<10000x128xf32, #tpu.memory_space<vmem_shared>> -> memref<128x128xf32, #tpu.memory_space<vmem_shared>>
        tpu.enqueue_dma source(%dma_start3A_315 : memref<128x128xf32, #tpu.memory_space<vmem_shared>>) target(%dma_start3A_313 : memref<128x128xf32, #tpu.memory_space<hbm>>) target_semaphore(%run_scoped3A : memref<!tpu.dma_semaphore, #tpu.memory_space<semaphore_mem>>)
        %dma_wait3A_316 = arith.constant 0 : i32
        %dma_wait3A_317 = tpu.memref_slice %arg8[%arg0, %add3A_302, %dma_wait3A_316] : memref<2x10000x128xf32, #tpu.memory_space<hbm>> -> memref<1x128x128xf32, #tpu.memory_space<hbm>>
        %dma_wait3A_318 = tpu.memref_squeeze %dma_wait3A_317 : memref<1x128x128xf32, #tpu.memory_space<hbm>> -> memref<128x128xf32, #tpu.memory_space<hbm>>
        %dma_wait3A_319 = arith.constant 0 : i32
        %dma_wait3A_320 = tpu.memref_slice %arg23[%add3A_302, %dma_wait3A_319] : memref<10000x128xf32, #tpu.memory_space<vmem_shared>> -> memref<128x128xf32, #tpu.memory_space<vmem_shared>>
        tpu.wait_dma2 semaphore(%run_scoped3A : memref<!tpu.dma_semaphore, #tpu.memory_space<semaphore_mem>>) src(%dma_wait3A_320 : memref<128x128xf32, #tpu.memory_space<vmem_shared>>) dst(%dma_wait3A_318 : memref<128x128xf32, #tpu.memory_space<hbm>>)
        tpu.yield
      }) : () -> ()
      %add3A_303 = arith.constant 128 : i32
      %add3A_304 = arith.addi %add3A_302, %add3A_303 : i32
      "tpu.region"() ({
        %run_scoped3A = tpu.sem_alloc : memref<!tpu.dma_semaphore, #tpu.memory_space<semaphore_mem>>
        %dma_start3A_311 = arith.constant 0 : i32
        %dma_start3A_312 = tpu.memref_slice %arg8[%arg0, %add3A_304, %dma_start3A_311] : memref<2x10000x128xf32, #tpu.memory_space<hbm>> -> memref<1x128x128xf32, #tpu.memory_space<hbm>>
        %dma_start3A_313 = tpu.memref_squeeze %dma_start3A_312 : memref<1x128x128xf32, #tpu.memory_space<hbm>> -> memref<128x128xf32, #tpu.memory_space<hbm>>
        %dma_start3A_314 = arith.constant 0 : i32
        %dma_start3A_315 = tpu.memref_slice %arg23[%add3A_304, %dma_start3A_314] : memref<10000x128xf32, #tpu.memory_space<vmem_shared>> -> memref<128x128xf32, #tpu.memory_space<vmem_shared>>
        tpu.enqueue_dma source(%dma_start3A_315 : memref<128x128xf32, #tpu.memory_space<vmem_shared>>) target(%dma_start3A_313 : memref<128x128xf32, #tpu.memory_space<hbm>>) target_semaphore(%run_scoped3A : memref<!tpu.dma_semaphore, #tpu.memory_space<semaphore_mem>>)
        %dma_wait3A_316 = arith.constant 0 : i32
        %dma_wait3A_317 = tpu.memref_slice %arg8[%arg0, %add3A_304, %dma_wait3A_316] : memref<2x10000x128xf32, #tpu.memory_space<hbm>> -> memref<1x128x128xf32, #tpu.memory_space<hbm>>
        %dma_wait3A_318 = tpu.memref_squeeze %dma_wait3A_317 : memref<1x128x128xf32, #tpu.memory_space<hbm>> -> memref<128x128xf32, #tpu.memory_space<hbm>>
        %dma_wait3A_319 = arith.constant 0 : i32
        %dma_wait3A_320 = tpu.memref_slice %arg23[%add3A_304, %dma_wait3A_319] : memref<10000x128xf32, #tpu.memory_space<vmem_shared>> -> memref<128x128xf32, #tpu.memory_space<vmem_shared>>
        tpu.wait_dma2 semaphore(%run_scoped3A : memref<!tpu.dma_semaphore, #tpu.memory_space<semaphore_mem>>) src(%dma_wait3A_320 : memref<128x128xf32, #tpu.memory_space<vmem_shared>>) dst(%dma_wait3A_318 : memref<128x128xf32, #tpu.memory_space<hbm>>)
        tpu.yield
      }) : () -> ()
      %add3A_305 = arith.constant 128 : i32
      %add3A_306 = arith.addi %add3A_304, %add3A_305 : i32
      "tpu.region"() ({
        %run_scoped3A = tpu.sem_alloc : memref<!tpu.dma_semaphore, #tpu.memory_space<semaphore_mem>>
        %dma_start3A_311 = arith.constant 0 : i32
        %dma_start3A_312 = tpu.memref_slice %arg8[%arg0, %add3A_306, %dma_start3A_311] : memref<2x10000x128xf32, #tpu.memory_space<hbm>> -> memref<1x128x128xf32, #tpu.memory_space<hbm>>
        %dma_start3A_313 = tpu.memref_squeeze %dma_start3A_312 : memref<1x128x128xf32, #tpu.memory_space<hbm>> -> memref<128x128xf32, #tpu.memory_space<hbm>>
        %dma_start3A_314 = arith.constant 0 : i32
        %dma_start3A_315 = tpu.memref_slice %arg23[%add3A_306, %dma_start3A_314] : memref<10000x128xf32, #tpu.memory_space<vmem_shared>> -> memref<128x128xf32, #tpu.memory_space<vmem_shared>>
        tpu.enqueue_dma source(%dma_start3A_315 : memref<128x128xf32, #tpu.memory_space<vmem_shared>>) target(%dma_start3A_313 : memref<128x128xf32, #tpu.memory_space<hbm>>) target_semaphore(%run_scoped3A : memref<!tpu.dma_semaphore, #tpu.memory_space<semaphore_mem>>)
        %dma_wait3A_316 = arith.constant 0 : i32
        %dma_wait3A_317 = tpu.memref_slice %arg8[%arg0, %add3A_306, %dma_wait3A_316] : memref<2x10000x128xf32, #tpu.memory_space<hbm>> -> memref<1x128x128xf32, #tpu.memory_space<hbm>>
        %dma_wait3A_318 = tpu.memref_squeeze %dma_wait3A_317 : memref<1x128x128xf32, #tpu.memory_space<hbm>> -> memref<128x128xf32, #tpu.memory_space<hbm>>
        %dma_wait3A_319 = arith.constant 0 : i32
        %dma_wait3A_320 = tpu.memref_slice %arg23[%add3A_306, %dma_wait3A_319] : memref<10000x128xf32, #tpu.memory_space<vmem_shared>> -> memref<128x128xf32, #tpu.memory_space<vmem_shared>>
        tpu.wait_dma2 semaphore(%run_scoped3A : memref<!tpu.dma_semaphore, #tpu.memory_space<semaphore_mem>>) src(%dma_wait3A_320 : memref<128x128xf32, #tpu.memory_space<vmem_shared>>) dst(%dma_wait3A_318 : memref<128x128xf32, #tpu.memory_space<hbm>>)
        tpu.yield
      }) : () -> ()
      %add3A_307 = arith.constant 128 : i32
      %add3A_308 = arith.addi %add3A_306, %add3A_307 : i32
      "tpu.region"() ({
        %run_scoped3A = tpu.sem_alloc : memref<!tpu.dma_semaphore, #tpu.memory_space<semaphore_mem>>
        %dma_start3A_311 = arith.constant 0 : i32
        %dma_start3A_312 = tpu.memref_slice %arg8[%arg0, %add3A_308, %dma_start3A_311] : memref<2x10000x128xf32, #tpu.memory_space<hbm>> -> memref<1x128x128xf32, #tpu.memory_space<hbm>>
        %dma_start3A_313 = tpu.memref_squeeze %dma_start3A_312 : memref<1x128x128xf32, #tpu.memory_space<hbm>> -> memref<128x128xf32, #tpu.memory_space<hbm>>
        %dma_start3A_314 = arith.constant 0 : i32
        %dma_start3A_315 = tpu.memref_slice %arg23[%add3A_308, %dma_start3A_314] : memref<10000x128xf32, #tpu.memory_space<vmem_shared>> -> memref<128x128xf32, #tpu.memory_space<vmem_shared>>
        tpu.enqueue_dma source(%dma_start3A_315 : memref<128x128xf32, #tpu.memory_space<vmem_shared>>) target(%dma_start3A_313 : memref<128x128xf32, #tpu.memory_space<hbm>>) target_semaphore(%run_scoped3A : memref<!tpu.dma_semaphore, #tpu.memory_space<semaphore_mem>>)
        %dma_wait3A_316 = arith.constant 0 : i32
        %dma_wait3A_317 = tpu.memref_slice %arg8[%arg0, %add3A_308, %dma_wait3A_316] : memref<2x10000x128xf32, #tpu.memory_space<hbm>> -> memref<1x128x128xf32, #tpu.memory_space<hbm>>
        %dma_wait3A_318 = tpu.memref_squeeze %dma_wait3A_317 : memref<1x128x128xf32, #tpu.memory_space<hbm>> -> memref<128x128xf32, #tpu.memory_space<hbm>>
        %dma_wait3A_319 = arith.constant 0 : i32
        %dma_wait3A_320 = tpu.memref_slice %arg23[%add3A_308, %dma_wait3A_319] : memref<10000x128xf32, #tpu.memory_space<vmem_shared>> -> memref<128x128xf32, #tpu.memory_space<vmem_shared>>
        tpu.wait_dma2 semaphore(%run_scoped3A : memref<!tpu.dma_semaphore, #tpu.memory_space<semaphore_mem>>) src(%dma_wait3A_320 : memref<128x128xf32, #tpu.memory_space<vmem_shared>>) dst(%dma_wait3A_318 : memref<128x128xf32, #tpu.memory_space<hbm>>)
        tpu.yield
      }) : () -> ()
      %add3A_309 = arith.constant 128 : i32
      %add3A_310 = arith.addi %add3A_308, %add3A_309 : i32
    } else {
    }
    %mul3A_295 = arith.constant 640 : i32
    %mul3A_296 = arith.muli %arg1, %mul3A_295 : i32
    %mul3A_297 = arith.constant 640 : i32
    %mul3A_298 = arith.muli %arg1, %mul3A_297 : i32
    "tpu.region"() ({
      %run_scoped3A = tpu.sem_alloc : memref<!tpu.dma_semaphore, #tpu.memory_space<semaphore_mem>>
      %dma_start3A_299 = tpu.memref_slice %arg9[%arg0, %mul3A_298] : memref<2x10240xf32, #tpu.memory_space<hbm>> -> memref<1x640xf32, #tpu.memory_space<hbm>>
      %dma_start3A_300 = tpu.memref_squeeze %dma_start3A_299 : memref<1x640xf32, #tpu.memory_space<hbm>> -> memref<640xf32, #tpu.memory_space<hbm>>
      %dma_start3A_301 = tpu.memref_slice %arg24[%mul3A_296] : memref<10240xf32, #tpu.memory_space<vmem_shared>> -> memref<640xf32, #tpu.memory_space<vmem_shared>>
      tpu.enqueue_dma source(%dma_start3A_301 : memref<640xf32, #tpu.memory_space<vmem_shared>>) target(%dma_start3A_300 : memref<640xf32, #tpu.memory_space<hbm>>) target_semaphore(%run_scoped3A : memref<!tpu.dma_semaphore, #tpu.memory_space<semaphore_mem>>)
      %dma_wait3A_302 = tpu.memref_slice %arg9[%arg0, %mul3A_298] : memref<2x10240xf32, #tpu.memory_space<hbm>> -> memref<1x640xf32, #tpu.memory_space<hbm>>
      %dma_wait3A_303 = tpu.memref_squeeze %dma_wait3A_302 : memref<1x640xf32, #tpu.memory_space<hbm>> -> memref<640xf32, #tpu.memory_space<hbm>>
      %dma_wait3A_304 = tpu.memref_slice %arg24[%mul3A_296] : memref<10240xf32, #tpu.memory_space<vmem_shared>> -> memref<640xf32, #tpu.memory_space<vmem_shared>>
      tpu.wait_dma2 semaphore(%run_scoped3A : memref<!tpu.dma_semaphore, #tpu.memory_space<semaphore_mem>>) src(%dma_wait3A_304 : memref<640xf32, #tpu.memory_space<vmem_shared>>) dst(%dma_wait3A_303 : memref<640xf32, #tpu.memory_space<hbm>>)
      tpu.yield
    }) : () -> ()
    return
  }
}

module attributes {stable_mosaic.version = 14 : i64} {
  func.func @_prep_body(%arg0: i32, %arg1: i32, %arg2: memref<2000x128xf32, #tpu.memory_space<vmem>>, %arg3: memref<128x128xf32, #tpu.memory_space<vmem>>, %arg4: memref<128x1xf32, #tpu.memory_space<vmem>>, %arg5: memref<2000x128xf32, #tpu.memory_space<vmem>>, %arg6: memref<2000x1xf32, #tpu.memory_space<vmem>>, %arg7: memref<1xf32, #tpu.memory_space<smem>>) attributes {dimension_semantics = [#tpu.dimension_semantics<arbitrary>, #tpu.dimension_semantics<arbitrary>], iteration_bounds = array<i64: 2, 5>, scalar_prefetch = 0 : i64, scratch_operands = 1 : i64, tpu.core_type = #tpu.core_type<tc>, window_params = [{transform_indices = @transform_0, window_bounds = array<i64: 2000, 128>}, {pipeline_mode = #tpu.pipeline_mode<synchronous>, transform_indices = @transform_1, window_bounds = array<i64: 128, 128>}, {pipeline_mode = #tpu.pipeline_mode<synchronous>, transform_indices = @transform_2, window_bounds = array<i64: 128, 1>}, {transform_indices = @transform_3, window_bounds = array<i64: 2000, 128>}, {transform_indices = @transform_4, window_bounds = array<i64: 2000, 1>}]} {
    %eq3A = arith.constant 0 : i32
    %eq3A_0 = arith.cmpi eq, %arg0, %eq3A : i32
    %eq3A_1 = arith.constant 0 : i32
    %eq3A_2 = arith.cmpi eq, %arg1, %eq3A_1 : i32
    %and3A = arith.andi %eq3A_0, %eq3A_2 : i1
    %convert_element_type3A = arith.extui %and3A : i1 to i32
    %cond3A = arith.constant 0 : i32
    %cond3A_3 = arith.cmpi ne, %convert_element_type3A, %cond3A : i32
    scf.if %cond3A_3 {
      %swap3A_29 = arith.constant 0xFF800000 : f32
      %swap3A_30 = arith.constant 0 : index
      %swap3A_31 = memref.load %arg7[%swap3A_30] : memref<1xf32, #tpu.memory_space<smem>>
      memref.store %swap3A_29, %arg7[%swap3A_30] : memref<1xf32, #tpu.memory_space<smem>>
    } else {
    }
    %get3A = arith.constant 0 : index
    %get3A_4 = arith.constant 0 : index
    %get3A_5 = vector.load %arg2[%get3A, %get3A_4] : memref<2000x128xf32, #tpu.memory_space<vmem>>, vector<2000x128xf32>
    %get3A_6 = arith.constant 0 : index
    %get3A_7 = arith.constant 0 : index
    %get3A_8 = vector.load %arg3[%get3A_6, %get3A_7] : memref<128x128xf32, #tpu.memory_space<vmem>>, vector<128x128xf32>
    %dot_general3A = arith.constant dense<0.000000e+00> : vector<2000x128xf32>
    %dot_general3A_9 = tpu.matmul %get3A_5, %get3A_8, %dot_general3A {dimension_numbers = #tpu.dot_dimension_numbers<[1], [0], [0], [1], [0, 0, 1, 1], [], []>, transpose_lhs_hint = false} : vector<2000x128xf32>, vector<128x128xf32>, vector<2000x128xf32> -> vector<2000x128xf32>
    %get3A_10 = arith.constant 0 : index
    %get3A_11 = arith.constant 0 : index
    %get3A_12 = vector.load %arg4[%get3A_10, %get3A_11] : memref<128x1xf32, #tpu.memory_space<vmem>>, vector<128x1xf32>
    %dot_general3A_13 = arith.constant dense<0.000000e+00> : vector<2000x1xf32>
    %dot_general3A_14 = tpu.matmul %dot_general3A_9, %get3A_12, %dot_general3A_13 {dimension_numbers = #tpu.dot_dimension_numbers<[1], [0], [0], [1], [0, 0, 1, 1], [], []>, transpose_lhs_hint = false} : vector<2000x128xf32>, vector<128x1xf32>, vector<2000x1xf32> -> vector<2000x1xf32>
    %eq3A_15 = arith.constant 0 : i32
    %eq3A_16 = arith.cmpi eq, %arg0, %eq3A_15 : i32
    %convert_element_type3A_17 = arith.extui %eq3A_16 : i1 to i32
    %cond3A_18 = arith.constant 0 : i32
    %cond3A_19 = arith.cmpi ne, %convert_element_type3A_17, %cond3A_18 : i32
    scf.if %cond3A_19 {
      %get3A_29 = arith.constant 0 : index
      %get3A_30 = memref.load %arg7[%get3A_29] : memref<1xf32, #tpu.memory_space<smem>>
      %reduce_max3A = vector.shape_cast %dot_general3A_14 : vector<2000x1xf32> to vector<1x2000x1xf32>
      %reduce_max3A_31 = arith.constant dense<0xFF800000> : vector<1xf32>
      %reduce_max3A_32 = vector.multi_reduction <maximumf>, %reduce_max3A, %reduce_max3A_31 [1, 2] : vector<1x2000x1xf32> to vector<1xf32>
      %reduce_max3A_33 = vector.shape_cast %reduce_max3A_32 : vector<1xf32> to vector<1x1x1xf32>
      %reduce_max3A_34 = vector.extract %reduce_max3A_33[0, 0, 0] : f32 from vector<1x1x1xf32>
      %max3A = arith.maximumf %get3A_30, %reduce_max3A_34 : f32
      %swap3A_35 = arith.constant 0 : index
      %swap3A_36 = memref.load %arg7[%swap3A_35] : memref<1xf32, #tpu.memory_space<smem>>
      memref.store %max3A, %arg7[%swap3A_35] : memref<1xf32, #tpu.memory_space<smem>>
    } else {
    }
    %get3A_20 = arith.constant 0 : index
    %get3A_21 = memref.load %arg7[%get3A_20] : memref<1xf32, #tpu.memory_space<smem>>
    %sub3A = vector.broadcast %get3A_21 : f32 to vector<2000x1xf32>
    %sub3A_22 = arith.subf %dot_general3A_14, %sub3A : vector<2000x1xf32>
    %exp3A = math.exp %sub3A_22 : vector<2000x1xf32>
    %mul3A = vector.broadcast %exp3A : vector<2000x1xf32> to vector<2000x128xf32>
    %mul3A_23 = arith.mulf %mul3A, %dot_general3A_9 : vector<2000x128xf32>
    %swap3A = arith.constant 0 : index
    %swap3A_24 = arith.constant 0 : index
    %swap3A_25 = vector.load %arg5[%swap3A, %swap3A_24] : memref<2000x128xf32, #tpu.memory_space<vmem>>, vector<2000x128xf32>
    tpu.vector_store %arg5[%swap3A, %swap3A_24], %mul3A_23 {strides = array<i32>} : memref<2000x128xf32, #tpu.memory_space<vmem>>, vector<2000x128xf32>,
    %swap3A_26 = arith.constant 0 : index
    %swap3A_27 = arith.constant 0 : index
    %swap3A_28 = vector.load %arg6[%swap3A_26, %swap3A_27] : memref<2000x1xf32, #tpu.memory_space<vmem>>, vector<2000x1xf32>
    tpu.vector_store %arg6[%swap3A_26, %swap3A_27], %exp3A {strides = array<i32>} : memref<2000x1xf32, #tpu.memory_space<vmem>>, vector<2000x1xf32>,
    return
  }
  func.func @transform_0(%arg0: i32, %arg1: i32) -> (i32, i32) {
    %c0_i32 = arith.constant 0 : i32
    %c0_i32_0 = arith.constant 0 : i32
    return %arg1, %c0_i32 : i32, i32
  }
  func.func @transform_1(%arg0: i32, %arg1: i32) -> (i32, i32) {
    %c0_i32 = arith.constant 0 : i32
    %c0_i32_0 = arith.constant 0 : i32
    %c0_i32_1 = arith.constant 0 : i32
    return %c0_i32, %c0_i32_0 : i32, i32
  }
  func.func @transform_2(%arg0: i32, %arg1: i32) -> (i32, i32) {
    %c0_i32 = arith.constant 0 : i32
    %c0_i32_0 = arith.constant 0 : i32
    %c0_i32_1 = arith.constant 0 : i32
    return %c0_i32, %c0_i32_0 : i32, i32
  }
  func.func @transform_3(%arg0: i32, %arg1: i32) -> (i32, i32) {
    %c0_i32 = arith.constant 0 : i32
    %c0_i32_0 = arith.constant 0 : i32
    return %arg1, %c0_i32 : i32, i32
  }
  func.func @transform_4(%arg0: i32, %arg1: i32) -> (i32, i32) {
    %c0_i32 = arith.constant 0 : i32
    %c0_i32_0 = arith.constant 0 : i32
    return %arg1, %c0_i32 : i32, i32
  }
}

module attributes {stable_mosaic.version = 14 : i64} {
  func.func @_finish_body(%arg0: i32, %arg1: memref<2x2000x128xf32, #tpu.memory_space<vmem>>, %arg2: memref<2x2000x1xf32, #tpu.memory_space<vmem>>, %arg3: memref<2000x128xf32, #tpu.memory_space<vmem>>) attributes {dimension_semantics = [#tpu.dimension_semantics<arbitrary>], iteration_bounds = array<i64: 5>, scalar_prefetch = 0 : i64, scratch_operands = 0 : i64, tpu.core_type = #tpu.core_type<tc>, window_params = [{transform_indices = @transform_0, window_bounds = array<i64: 2, 2000, 128>}, {transform_indices = @transform_1, window_bounds = array<i64: 2, 2000, 1>}, {transform_indices = @transform_2, window_bounds = array<i64: 2000, 128>}]} {
    %get3A = arith.constant 0 : index
    %get3A_0 = arith.constant 0 : index
    %get3A_1 = arith.constant 0 : index
    %get3A_2 = vector.load %arg1[%get3A, %get3A_0, %get3A_1] : memref<2x2000x128xf32, #tpu.memory_space<vmem>>, vector<2x2000x128xf32>
    %get3A_3 = arith.constant 0 : index
    %get3A_4 = arith.constant 0 : index
    %get3A_5 = arith.constant 0 : index
    %get3A_6 = vector.load %arg2[%get3A_3, %get3A_4, %get3A_5] : memref<2x2000x1xf32, #tpu.memory_space<vmem>>, vector<2x2000x1xf32>
    %slice3A = vector.extract_strided_slice %get3A_2 {offsets = [0, 0, 0], sizes = [1, 2000, 128], strides = [1, 1, 1]} : vector<2x2000x128xf32> to vector<1x2000x128xf32>
    %squeeze3A = vector.shape_cast %slice3A : vector<1x2000x128xf32> to vector<2000x128xf32>
    %slice3A_7 = vector.extract_strided_slice %get3A_2 {offsets = [1, 0, 0], sizes = [1, 2000, 128], strides = [1, 1, 1]} : vector<2x2000x128xf32> to vector<1x2000x128xf32>
    %squeeze3A_8 = vector.shape_cast %slice3A_7 : vector<1x2000x128xf32> to vector<2000x128xf32>
    %add3A = arith.addf %squeeze3A, %squeeze3A_8 : vector<2000x128xf32>
    %slice3A_9 = vector.extract_strided_slice %get3A_6 {offsets = [0, 0, 0], sizes = [1, 2000, 1], strides = [1, 1, 1]} : vector<2x2000x1xf32> to vector<1x2000x1xf32>
    %squeeze3A_10 = vector.shape_cast %slice3A_9 : vector<1x2000x1xf32> to vector<2000x1xf32>
    %slice3A_11 = vector.extract_strided_slice %get3A_6 {offsets = [1, 0, 0], sizes = [1, 2000, 1], strides = [1, 1, 1]} : vector<2x2000x1xf32> to vector<1x2000x1xf32>
    %squeeze3A_12 = vector.shape_cast %slice3A_11 : vector<1x2000x1xf32> to vector<2000x1xf32>
    %add3A_13 = arith.addf %squeeze3A_10, %squeeze3A_12 : vector<2000x1xf32>
    %gt3A = arith.constant 0.000000e+00 : f32
    %gt3A_14 = vector.broadcast %gt3A : f32 to vector<2000x1xf32>
    %gt3A_15 = arith.cmpf ogt, %add3A_13, %gt3A_14 : vector<2000x1xf32>
    %gt3A_16 = arith.constant 0.000000e+00 : f32
    %gt3A_17 = vector.broadcast %gt3A_16 : f32 to vector<2000x1xf32>
    %gt3A_18 = arith.cmpf ogt, %add3A_13, %gt3A_17 : vector<2000x1xf32>
    %jit3A = arith.constant 1.000000e+00 : f32
    %broadcast_in_dim3A = vector.broadcast %jit3A : f32 to vector<2000x1xf32>
    %select_n3A = arith.select %gt3A_18, %add3A_13, %broadcast_in_dim3A : vector<2000x1xi1>, vector<2000x1xf32>
    %div3A = arith.constant 1.000000e+00 : f32
    %div3A_19 = vector.broadcast %div3A : f32 to vector<2000x1xf32>
    %div3A_20 = arith.divf %div3A_19, %select_n3A : vector<2000x1xf32>
    %jit3A_21 = arith.constant 0.000000e+00 : f32
    %broadcast_in_dim3A_22 = vector.broadcast %jit3A_21 : f32 to vector<2000x1xf32>
    %select_n3A_23 = arith.select %gt3A_15, %div3A_20, %broadcast_in_dim3A_22 : vector<2000x1xi1>, vector<2000x1xf32>
    %mul3A = vector.broadcast %select_n3A_23 : vector<2000x1xf32> to vector<2000x128xf32>
    %mul3A_24 = arith.mulf %add3A, %mul3A : vector<2000x128xf32>
    %swap3A = arith.constant 0 : index
    %swap3A_25 = arith.constant 0 : index
    %swap3A_26 = vector.load %arg3[%swap3A, %swap3A_25] : memref<2000x128xf32, #tpu.memory_space<vmem>>, vector<2000x128xf32>
    tpu.vector_store %arg3[%swap3A, %swap3A_25], %mul3A_24 {strides = array<i32>} : memref<2000x128xf32, #tpu.memory_space<vmem>>, vector<2000x128xf32>,
    return
  }
  func.func @transform_0(%arg0: i32) -> (i32, i32, i32) {
    %c0_i32 = arith.constant 0 : i32
    %c0_i32_0 = arith.constant 0 : i32
    %c0_i32_1 = arith.constant 0 : i32
    return %c0_i32, %arg0, %c0_i32_0 : i32, i32, i32
  }
  func.func @transform_1(%arg0: i32) -> (i32, i32, i32) {
    %c0_i32 = arith.constant 0 : i32
    %c0_i32_0 = arith.constant 0 : i32
    %c0_i32_1 = arith.constant 0 : i32
    return %c0_i32, %arg0, %c0_i32_0 : i32, i32, i32
  }
  func.func @transform_2(%arg0: i32) -> (i32, i32) {
    %c0_i32 = arith.constant 0 : i32
    %c0_i32_0 = arith.constant 0 : i32
    return %arg0, %c0_i32 : i32, i32
  }
}

</mosaic_0001>

<sc_bundles>
// kernel: kernel.5.cloned.1.call-start
scs
__scs_entry_jumppad:
0x0: {  	(pc) =	sbr.rel $0x88, $3  }
0x1: {  	(tag) =	ssettag $0x0;
	lr =	simm.s32 $0x1  }
0x2: {  	[smem:$0x3F9D] =	sst lr;
	_ =	strace $0xD0000000  }
0x3: {  	_ = 	snop  }
0x4: {  	_ = 	snop  }
0x5: {  	_ = 	snop  }
0x6: {  	_ = 	snop  }
0x7: {  	_ = 	snop  }
__scs_overlays_trampoline_lowered:
0x8: {  	[smem:$0x3FAC] =	sst s0  }
0x9: {  	[smem:$0x3FAD] =	sst s1  }
0xa: {  	[smem:$0x3FAE] =	sst s2  }
0xb: {  	[smem:$0x3FAF] =	sst s3  }
0xc: {  	[smem:$0x3FB0] =	sst s4  }
0xd: {  	[smem:$0x3FB1] =	sst s5  }
0xe: {  	[smem:$0x3FB2] =	sst s6  }
0xf: {  	[smem:$0x3FB3] =	sst s7  }
0x10: {  	[smem:$0x3FB4] =	sst s8  }
0x11: {  	[smem:$0x3FB5] =	sst s9;
	s0 =	simm.s32 @!p0 $0x0  }
0x12: {  	s1 =	sld [smem:$0x3F9B];
	s0 =	simm.s32 @p0 $0x1  }
0x13: {  	[smem:$0x3FB6] =	sst s0;
	s0 =	simm.s32 @!p1 $0x0  }
0x14: {  	s2 =	sld [smem:$0x3F9A];
	s0 =	simm.s32 @p1 $0x1  }
0x15: {  	[smem:$0x3FB7] =	sst s0;
	s0 =	simm.s32 @!p2 $0x0  }
0x16: {  	s3 =	sld [smem:$0x3FDB];
	s0 =	simm.s32 @p2 $0x1  }
0x17: {  	s4 =	simm.s32 $0x1BF5;
	[smem:$0x3FB9] =	sst s0  }
0x18: {  	s0 =	sld [smem:$0x3F9C];
	_ =	swait.ge [sflag:s4], $0x0  }
0x19: {  	s7 =	sld [smem:$0x3F9D]  }
0x1a: {  	s8 =	sadd.s32 $0xFFFFE003, lr  }
0x1b: {  	s9 =	sadd.s32 $0xFFFFFEF7, lr;
	s5 =	simm.s32 $0xFFFFFFFF;
	p2 =	slt.u32 s8, $0xFFFFF086  }
0x1c: {  	p1 =	slt.u32 s9, $0xF7A;
	s5 =	simm.s32 @!p2 $0x0  }
0x1d: {  	s5 =	simm.s32 @p1 $0x1;
	p0 =	seq.s32 s7, s2  }
0x1e: {  	s7 =	smul.u32 @!p0 $0xF7A, s2;
	p2 =	seq.s32 @!p0 s5, $0x0  }
0x1f: {  	s9 =	smul.u32 $0xF7A, s1;
	s8 =	simm.s32 @!p0 $0x1BF5;
	p2 =	por !p2, p0  }
0x20: {  	[sflag:s8] =	ssyncset.s32 @!p0 $0xFFFFF086;
	s6 =	sadd.s32 @!p0 s3, s7;
	s7 =	simm.s32 @!p0 $0x108  }
0x21: {  	s3 =	sadd.s32 s3, s9;
	s6 =	sadd.s32 @!p0 $0x88, s6;
	s7 =	simm.s32 @p2 $0x1082  }
0x22: {  	[simem:s7], [sflag:s8] =	dma.local @!p0 [hbm:s6], $0xF7A  }
0x23: {  	s9 =	sor.u32 $0xD0000000, s2;
	s6 =	simm.s32 $0x108;
	_ =	swait.ge @!p0 [sflag:s8], $0x0  }
0x24: {  	s3 =	sadd.s32 $0x88, s3;
	s6 =	simm.s32 @!p1 $0x1082;
	[sflag:s4] =	ssyncset.s32 $0xFFFFF086  }
0x25: {  	[simem:s6], [sflag:s4] =	dma.local [hbm:s3], $0xF7A  }
0x26: {  	[smem:$0x3F9D] =	sst s1;
	(tag) =	ssettag s2;
	_ =	strace s9  }
0x27: {  	s1 =	sld [smem:$0x3FAD]  }
0x28: {  	s2 =	sld [smem:$0x3FAE]  }
0x29: {  	s4 =	sld [smem:$0x3FB0]  }
0x2a: {  	p0 =	seq.s32 s5, $0x0;
	s5 =	sld [smem:$0x3FB1]  }
0x2b: {  	s6 =	sld [smem:$0x3FB2]  }
0x2c: {  	s7 =	sld [smem:$0x3FB3]  }
0x2d: {  	s3 =	simm.s32 $0x108;
	s8 =	sld [smem:$0x3FB4]  }
0x2e: {  	s3 =	simm.s32 @!p0 $0x1082;
	s9 =	sld [smem:$0x3FB5]  }
0x2f: {  	lr =	sadd.s32 s0, s3;
	s0 =	sld [smem:$0x3FAC]  }
0x30: {  	s3 =	sld [smem:$0x3FAF]  }
0x31: {  	[smem:$0x3FB8] =	sst s10  }
0x32: {  	s10 =	sld [smem:$0x3FB6];
	_ =	sdelay $0x3  }
0x33: {  	p0 =	seq.s32 s10, $0x1;
	s10 =	sld [smem:$0x3FB8];
	_ =	sdelay $0x3  }
0x34: {  	[smem:$0x3FB8] =	sst s10  }
0x35: {  	s10 =	sld [smem:$0x3FB7];
	_ =	sdelay $0x3  }
0x36: {  	p1 =	seq.s32 s10, $0x1;
	s10 =	sld [smem:$0x3FB8];
	_ =	sdelay $0x3  }
0x37: {  	[smem:$0x3FB8] =	sst s10  }
0x38: {  	s10 =	sld [smem:$0x3FB9]  }
0x39: {  	_ = 	snop;
	(pc) =	sbr.ind lr, $3  }
0x3a: {  	_ = 	snop  }
0x3b: {  	_ = 	snop  }
0x3c: {  	p2 =	seq.s32 s10, $0x1;
	s10 =	sld [smem:$0x3FB8]  }
0x3d: {  	_ =	shalt  }
0x3e: {  	_ =	shalt  }
0x3f: {  	_ =	shalt  }
0x40: {  	_ =	shalt  }
0x41: {  	_ =	shalt  }
0x42: {  	_ =	shalt  }
0x43: {  	_ =	shalt  }
0x44: {  	_ =	shalt  }
0x45: {  	_ =	shalt  }
0x46: {  	_ =	shalt  }
0x47: {  	_ =	shalt  }
0x48: {  	_ =	shalt  }
0x49: {  	_ =	shalt  }
0x4a: {  	_ =	shalt  }
0x4b: {  	_ =	shalt  }
0x4c: {  	_ =	shalt  }
0x4d: {  	_ =	shalt  }
0x4e: {  	_ =	shalt  }
0x4f: {  	_ =	shalt  }
0x50: {  	_ =	shalt  }
0x51: {  	_ =	shalt  }
0x52: {  	_ =	shalt  }
0x53: {  	_ =	shalt  }
0x54: {  	_ =	shalt  }
0x55: {  	_ =	shalt  }
0x56: {  	_ =	shalt  }
0x57: {  	_ =	shalt  }
0x58: {  	_ =	shalt  }
0x59: {  	_ =	shalt  }
0x5a: {  	_ =	shalt  }
0x5b: {  	_ =	shalt  }
0x5c: {  	_ =	shalt  }
0x5d: {  	_ =	shalt  }
0x5e: {  	_ =	shalt  }
0x5f: {  	_ =	shalt  }
0x60: {  	_ =	shalt  }
0x61: {  	_ =	shalt  }
0x62: {  	_ =	shalt  }
0x63: {  	_ =	shalt  }
0x64: {  	_ =	shalt  }
0x65: {  	_ =	shalt  }
0x66: {  	_ =	shalt  }
0x67: {  	_ =	shalt  }
0x68: {  	_ =	shalt  }
0x69: {  	_ =	shalt  }
0x6a: {  	_ =	shalt  }
0x6b: {  	_ =	shalt  }
0x6c: {  	_ =	shalt  }
0x6d: {  	_ =	shalt  }
0x6e: {  	_ =	shalt  }
0x6f: {  	_ =	shalt  }
0x70: {  	_ =	shalt  }
0x71: {  	_ =	shalt  }
0x72: {  	_ =	shalt  }
0x73: {  	_ =	shalt  }
0x74: {  	_ =	shalt  }
0x75: {  	_ =	shalt  }
0x76: {  	_ =	shalt  }
0x77: {  	_ =	shalt  }
0x78: {  	_ =	shalt  }
0x79: {  	_ =	shalt  }
0x7a: {  	_ =	shalt  }
0x7b: {  	_ =	shalt  }
0x7c: {  	_ =	shalt  }
0x7d: {  	_ =	shalt  }
0x7e: {  	_ =	shalt  }
0x7f: {  	_ =	shalt  }
0x80: {  	_ =	shalt  }
0x81: {  	_ =	shalt  }
0x82: {  	_ =	shalt  }
0x83: {  	_ =	shalt  }
0x84: {  	_ =	shalt  }
0x85: {  	_ =	shalt  }
0x86: {  	_ =	shalt  }
0x87: {  	_ =	shalt  }
.Lfunc_end0:
.L_simem_size_0:
called_computation_lowered:
.L_overlay_start_0:
0x88: {  	s2 =	sld [smem:$0x3FD9]  }
0x89: {  	s3 =	sld [smem:$0x3FFE];
	_ =	sdelay $0x1  }
0x8a: {  	s1 =	srdreg.scid  }
0x8b: {  	s0 =	sand.u32 $0x1, s1  }
0x8c: {  	s17 =	sshll.u32 s0, $0xA;
	s2 =	sadd.s32 s3, s2  }
0x8d: {  	s2 =	sadd.s32 s2, s17  }
0x8e: {  	[smem:$0x3FC4] =	sst s2  }
0x8f: {  	_ = 	snop  }
0x90: {  	s2 =	sld [smem:$0x3FD0];
	(tm) =	ssettm $0x1  }
0x91: {  	s18 =	sld [smem:$0x3FFB];
	_ =	sdelay $0x3  }
0x92: {  	_ =	strace s18  }
0x93: {  	s3 =	sld [smem:$0x3FFC];
	_ =	sdelay $0x3  }
0x94: {  	_ =	strace s3  }
0x95: {  	s3 =	sld [smem:$0x3FFD];
	_ =	sdelay $0x3  }
0x96: {  	_ =	strace s3  }
0x97: {  	_ =	strace $0x8FFFFFFF  }
0x98: {  	s19 =	sld [smem:$0x3FDB];
	_ =	sdelay $0x1  }
0x99: {  	s4 =	simm.s32 $_scs_section_size  }
0x9a: {  	s5 =	simm.s32 $_size__tile_overlayer_lowered;
	s6 =	simm.s32 $_tile_overlayer_lowered  }
0x9b: {  	s22 =	simm.s32 $0x1BFF;
	s21 =	sshll.u32 s6, $0x1;
	s3 =	sadd.s32 s4, s19  }
0x9c: {  	s7 =	simm.s32 $0x0;
	s20 =	sshll.u32 s5, $0x1;
	s5 =	sadd.s32 s21, s3  }
0x9d: {  	[timem:s7], [sflag:s22] =	dma.local [hbm:s5], s20  }
0x9e: {  	_ =	swait.ge [sflag:s22], s20  }
0x9f: {  	s4 =	ssub.s32 $0x0, s20;
	[sflag:s22] =	ssyncset.done $0x0  }
0xa0: {  	[sflag:s22] =	ssyncadd.s32 s4;
	_ =	sdelay $0x1  }
0xa1: {  	s23 =	simm.s32 $0x1B8B  }
0xa2: {  	_ =	swait.ge [sflag:s23], $0x1  }
0xa3: {  	[sflag:s23] =	ssyncset.done $0x0  }
0xa4: {  	s25 =	simm.s32 $0x1B8E;
	s24 =	sld [smem:$0x3FFE];
	[sflag:s23] =	ssyncadd.s32 $0xFFFFFFFF  }
0xa5: {  	s26 =	simm.s32 $execute0_lowered;
	[smem:$0x3FD2] =	sst s25  }
0xa6: {  	s5 =	sshll.u32 s26, $0x1;
	_ =	strace $0x80000046;
	[dreg:$0x1] =	wrdreg $0xFFFFFFFF  }
0xa7: {  	s28 =	simm.s32 $_size_execute0_lowered;
	s3 =	sadd.s32 s3, s5;
	[dreg:$0x0] =	wrdreg $0x0  }
0xa8: {  	s5 =	sshll.u32 s28, $0x1;
	[dreg:$0x2] =	wrdreg s3  }
0xa9: {  	[dreg:$0x3] =	wrdreg s5  }
0xaa: {  	[dreg:$0x4] =	wrdreg $0xC0  }
0xab: {  	_ =	task [dreg:s7], $0x5FFFF  }
0xac: {  	[dreg:$0x1] =	wrdreg $0xFFFFFFFF  }
0xad: {  	[dreg:$0x0] =	wrdreg $0x60  }
0xae: {  	[dreg:$0x2] =	wrdreg s2  }
0xaf: {  	[dreg:$0x3] =	wrdreg s24  }
0xb0: {  	[dreg:$0x4] =	wrdreg $0x76800  }
0xb1: {  	[dreg:$0x5] =	wrdreg $0x1AF000  }
0xb2: {  	[dreg:$0x6] =	wrdreg $0x9  }
0xb3: {  	_ =	task.clear_ibuf [dreg:s7], $0x7FFFF;
	_ =	strace $0x90000046  }
0xb4: {  	s29 =	simm.s32 $0x9;
	_ =	strace $0x80000048  }
0xb5: {  	_ =	swait.ge [sflag:s29], $0x1  }
0xb6: {  	[sflag:s29] =	ssyncadd.s32 $0xFFFFFFFF  }
0xb7: {  	_ =	strace $0x90000048  }
0xb8: {  	_ =	sfence  }
0xb9: {  	s30 =	sld [smem:$0x0];
	_ =	sdelay $0x2  }
0xba: {  	s31 =	sshll.u32 s1, $0xD;
	s1 =	sshrl.u32 s1, $0x2  }
0xbb: {  	s3 =	sand.u32 $0x4000, s31;
	s1 =	sadd.s32 s1, s30  }
0xbc: {  	s0 =	sor.u32 s3, s0;
	s1 =	sshll.u32 s1, $0x11  }
0xbd: {  	s0 =	sor.u32 s1, s0  }
0xbe: {  	s0 =	sadd.s32 $0x8F2B, s0  }
0xbf: {  	[sflag:s0] =	ssyncadd.remote.s32 $0x1  }
0xc0: {  	_ =	sfence.sel $0xFFFF  }
0xc1: {  	[dreg:$0x0] =	wrdreg $0xFFFFFFFF;
	(pc) =	sbr.abs _section_cstart, $3  }
0xc2: {  	[dreg:$0x1] =	wrdreg $0xFFFFFFFF  }
0xc3: {  	_ =	task.clear_ibuf [dreg:s7], $0x2FFFF;
	_ =	strace $0x9FFFFFFF  }
0xc4: {  	(tm) =	ssettm $0x7FFFFFFF  }
0xc5: {  	_ =	shalt  }
tec
execute0_lowered:
.L_overlay_start_1:
0x0: {  	(tag) =	ssettag $0x1  }
0x1: {  	s1 =	rddreg [dreg:$0x0]  }
0x2: {  	s0 =	rddreg [dreg:$0x1]  }
0x3: {  	s2 =	rddreg [dreg:$0x2]  }
0x4: {  	s3 =	rddreg [dreg:$0x3]  }
0x5: {  	s4 =	simm.s32 $0x0;
	s5 =	srdreg.scid;
	s22 =	stileid.u32  }
0x6: {  	s28 =	simm.s32 $0x70;
	[smem:$0x7FF] =	sst s4;
	s6 =	sadd.s32 $0x14000, s0  }
0x7: {  	s7 =	sadd.s32 $0xA200, s0;
	s8 =	sadd.s32 $0x400, s0;
	s10 =	smul.u32 $0x500, s22  }
0x8: {  	s9 =	sadd.s32 $0x15A00, s0;
	s5 =	sand.u32 $0x1, s5;
	s14 =	smul.u32 $0x13800, s22  }
0x9: {  	s17 =	smul.u32 $0x2710, s22;
	p0 =	seq.s32 s22, $0xF;
	_ =	strace $0x80000047  }
0xa: {  	s11 =	sshll.u32 s5, $0x7;
	s12 =	ssub.s32 $0x2, s5;
	s13 =	smul.u32 $0x138800, s5  }
0xb: {  	s20 =	sshll.u32 s5, $0x4;
	s5 =	smul.u32 $0x27100, s5;
	s10 =	sor.u32 s11, s10  }
0xc: {  	s19 =	sshrl.u32 s12, $0x1;
	s16 =	sadd.s32 $0x4000, s14;
	s18 =	sadd.s32 $0x8000, s14  }
0xd: {  	s10 =	sshrl.u32 s10, $0x3;
	s11 =	ssub.s32 s12, s19;
	s12 =	sor.u32 s22, s20  }
0xe: {  	s15 =	sadd.s32 s14, s13;
	s21 =	sadd.s32 s13, s16;
	s5 =	sadd.s32 s17, s5  }
0xf: {  	s23 =	sadd.s32 s13, s18;
	s19 =	sadd.s32 $0xC000, s14;
	s15 =	sshrl.u32 s15, $0x3  }
0x10: {  	s12 =	smul.u32 $0x2710, s12;
	s17 =	sadd.s32 $0x150, s5;
	s20 =	sadd.s32 s13, s19  }
0x11: {  	s10 =	sadd.s32 s10, s0;
	s5 =	sadd.s32 $0xE0, s5;
	s15 =	sadd.s32 s9, s15  }
0x12: {  	s17 =	sshrl.u32 s17, $0x3;
	s20 =	sshrl.u32 s20, $0x3;
	[dreg:$0x1d] =	wrdreg s5  }
0x13: {  	[dreg:$0x7] =	wrdreg s15;
	s15 =	sshrl.u32 s21, $0x3;
	s24 =	sadd.s32 s17, s8  }
0x14: {  	s21 =	sadd.s32 $0x10000, s14;
	s26 =	sadd.s32 s9, s20;
	[dreg:$0x5] =	wrdreg s24  }
0x15: {  	s20 =	sadd.s32 s17, s7;
	s12 =	sshrl.u32 s12, $0x3;
	[dreg:$0xa] =	wrdreg s26  }
0x16: {  	s15 =	sadd.s32 s9, s15;
	s25 =	sadd.s32 s13, s21;
	[dreg:$0x6] =	wrdreg s20  }
0x17: {  	s24 =	sadd.s32 $0x14800, s0;
	s0 =	sadd.s32 $0x14600, s0;
	[dreg:$0x8] =	wrdreg s15  }
0x18: {  	s15 =	sshrl.u32 s23, $0x3;
	s14 =	sshrl.u32 s25, $0x3;
	[dreg:$0xc] =	wrdreg s24  }
0x19: {  	s23 =	smul.u32 $0x4E000, s22;
	[dreg:$0xd] =	wrdreg s0;
	s24 =	sadd.s32 s8, s12  }
0x1a: {  	s25 =	smul.u32 $0xA00, s22;
	s22 =	sadd.s32 $0x124800, s2;
	[dreg:$0x13] =	wrdreg s24  }
0x1b: {  	s13 =	sshrl.u32 s13, $0x3;
	s15 =	sadd.s32 s9, s15;
	[smem:$0x7F7] =	sst s22  }
0x1c: {  	s14 =	sadd.s32 s9, s14;
	s9 =	sadd.s32 s9, s13;
	[dreg:$0x9] =	wrdreg s15  }
0x1d: {  	s24 =	sadd.s32 $0x12C800, s2;
	[dreg:$0xb] =	wrdreg s14;
	s26 =	sshrl.u32 s23, $0x2  }
0x1e: {  	s13 =	sshrl.u32 s25, $0x2;
	s23 =	sadd.s32 s7, s12;
	[smem:$0x7FA] =	sst s24  }
0x1f: {  	s15 =	sadd.s32 $0xE, s12;
	s0 =	sadd.s32 s13, s3;
	[dreg:$0x12] =	wrdreg s23  }
0x20: {  	s29 =	simm.s32 $0x280;
	s17 =	sadd.s32 s7, s15;
	[dreg:$0xf] =	wrdreg s0  }
0x21: {  	s25 =	sadd.s32 $0x4DE, s12;
	s20 =	sadd.s32 s8, s15;
	[dreg:$0x10] =	wrdreg s17  }
0x22: {  	s30 =	simm.s32 $0x380;
	s12 =	sadd.s32 s7, s25;
	[dreg:$0x11] =	wrdreg s20  }
0x23: {  	s14 =	sadd.s32 s26, s2;
	s26 =	sadd.s32 $0x24900, s9;
	[dreg:$0x14] =	wrdreg s12  }
0x24: {  	s13 =	sadd.s32 s19, s2;
	s19 =	sadd.s32 $0x26100, s9;
	[dreg:$0x16] =	wrdreg s26  }
0x25: {  	s15 =	sadd.s32 s21, s2;
	s21 =	smax.u32 s11, $0x1;
	[dreg:$0x19] =	wrdreg s19  }
0x26: {  	s31 =	simm.s32 $0x3B80;
	s24 =	simm.s32 $0x180;
	[dreg:$0x1c] =	wrdreg s21  }
0x27: {  	s23 =	sadd.s32 $0x128800, s2;
	s11 =	simm.s32 $0x3E00;
	[dreg:$0xe] =	wrdreg s14  }
0x28: {  	s0 =	sadd.s32 s8, s25;
	s12 =	sadd.s32 s18, s2;
	[smem:$0x7F8] =	sst s23  }
0x29: {  	s17 =	sadd.s32 $0x25100, s9;
	s18 =	sadd.s32 $0x25900, s9;
	[dreg:$0x15] =	wrdreg s0  }
0x2a: {  	s9 =	sadd.s32 $0x26900, s9;
	s20 =	sadd.s32 $0x15000, s10;
	[dreg:$0x17] =	wrdreg s17  }
0x2b: {  	s25 =	sadd.s32 $0x130800, s2;
	s26 =	sadd.s32 $0x134800, s2;
	[dreg:$0x18] =	wrdreg s18  }
0x2c: {  	s23 =	simm.s32 $0x9;
	s10 =	simm.s32 $0x3D00;
	[dreg:$0x1a] =	wrdreg s9  }
0x2d: {  	s19 =	simm.s32 $0x6;
	s21 =	simm.s32 $0x3D80;
	[dreg:$0x1b] =	wrdreg s20  }
0x2e: {  	s0 =	sadd.s32 s16, s2;
	s9 =	sadd.s32 $0x4000, s14;
	[smem:$0x7FB] =	sst s25  }
0x2f: {  	[smem:$0x7FD] =	sst s26;
	s25 =	simm.s32 $0x1F0;
	s26 =	simm.s32 $0x1  }
0x30: {  	s17 =	simm.s32 $0x300;
	s18 =	simm.s32 $0x4;
	s5 =	sshrl.u32 @!p0 s9, $0x3  }
0x31: {  	s20 =	simm.s32 $0x7;
	s0 =	sshrl.u32 @!p0 s0, $0x3;
	[dreg:$0x1e] =	wrdreg s5  }
0x32: {  	s5 =	sadd.s32 $0x8000, s14;
	[smem:$0x7F5] =	sst s0;
	s0 =	sshrl.u32 @!p0 s12, $0x3  }
0x33: {  	s9 =	sadd.s32 $0x10000, s14;
	s5 =	sshrl.u32 @!p0 s5, $0x3;
	[smem:$0x7F6] =	sst s0  }
0x34: {  	s12 =	simm.s32 $0x7600;
	s0 =	sshrl.u32 @!p0 s13, $0x3;
	[dreg:$0x1f] =	wrdreg s5  }
0x35: {  	s5 =	sadd.s32 $0xC000, s14;
	[smem:$0x7F9] =	sst s0;
	s0 =	sshrl.u32 @!p0 s15, $0x3  }
0x36: {  	s13 =	simm.s32 $0x2;
	s5 =	sshrl.u32 @!p0 s5, $0x3;
	[smem:$0x7FC] =	sst s0  }
0x37: {  	s15 =	simm.s32 $0x3;
	[smem:$0x7F3] =	sst s5;
	s5 =	sshrl.u32 @!p0 s9, $0x3  }
0x38: {  	s9 =	simm.s32 $0x5;
	[smem:$0x7F4] =	sst s5;
	s5 =	simm.s32 $0x0  }
.LBB2_1:
0x39: {  	s0 =	sld [smem:$0x7F7];
	_ =	sdelay $0x1  }
0x3a: {  	[smem:$0x7EA] =	sst s5  }
0x3b: {  	s16 =	rddreg [dreg:$0xc];
	s5 =	sshrl.u32 @p0 s0, $0x3  }
0x3c: {  	s0 =	simm.s32 @p0 $0x1FC9;
	[smem:$0x7EB] =	sst s5  }
0x3d: {  	[spmem:s5], [sflag:s0] =	dma.local @p0 [hbm:s16], $0x800  }
0x3e: {  	s5 =	simm.s32 @p0 $0x9  }
0x3f: {  	_ =	swait.ge @p0 [sflag:s5], $0x800  }
0x40: {  	s14 =	sld [smem:$0x7F8];
	_ =	sdelay $0x2  }
0x41: {  	[sflag:s5] =	ssyncset.done @p0 $0x0;
	s14 =	sshrl.u32 @p0 s14, $0x3  }
0x42: {  	[sflag:s5] =	ssyncadd.s32 @p0 $0xFFFFF800;
	[smem:$0x7EC] =	sst s14  }
0x43: {  	[spmem:s14], [sflag:s0] =	dma.local @p0 [hbm:s16], $0x800  }
0x44: {  	_ =	swait.ge @p0 [sflag:s5], $0x800  }
0x45: {  	s14 =	sld [smem:$0x7FA];
	_ =	sdelay $0x2  }
0x46: {  	[sflag:s5] =	ssyncset.done @p0 $0x0;
	s14 =	sshrl.u32 @p0 s14, $0x3  }
0x47: {  	[sflag:s5] =	ssyncadd.s32 @p0 $0xFFFFF800;
	[smem:$0x7ED] =	sst s14  }
0x48: {  	[spmem:s14], [sflag:s0] =	dma.local @p0 [hbm:s16], $0x800  }
0x49: {  	_ =	swait.ge @p0 [sflag:s5], $0x800  }
0x4a: {  	s14 =	sld [smem:$0x7FB];
	_ =	sdelay $0x2  }
0x4b: {  	[sflag:s5] =	ssyncset.done @p0 $0x0;
	s14 =	sshrl.u32 @p0 s14, $0x3  }
0x4c: {  	[sflag:s5] =	ssyncadd.s32 @p0 $0xFFFFF800;
	[smem:$0x7EE] =	sst s14  }
0x4d: {  	[spmem:s14], [sflag:s0] =	dma.local @p0 [hbm:s16], $0x800  }
0x4e: {  	_ =	swait.ge @p0 [sflag:s5], $0x800  }
0x4f: {  	s14 =	sld [smem:$0x7FD];
	_ =	sdelay $0x2  }
0x50: {  	[sflag:s5] =	ssyncset.done @p0 $0x0;
	s14 =	sshrl.u32 @p0 s14, $0x3  }
0x51: {  	[sflag:s5] =	ssyncadd.s32 @p0 $0xFFFFF800;
	[smem:$0x7EF] =	sst s14  }
0x52: {  	[spmem:s14], [sflag:s0] =	dma.local @p0 [hbm:s16], $0x800  }
0x53: {  	_ =	swait.ge @p0 [sflag:s5], $0x800  }
0x54: {  	[sflag:s5] =	ssyncset.done @p0 $0x0  }
0x55: {  	s14 =	stileid.u32;
	[sflag:s5] =	ssyncadd.s32 @p0 $0xFFFFF800;
	s5 =	rddreg [dreg:$0xe]  }
0x56: {  	s0 =	sshll.u32 @!p0 s14, $0x6;
	s5 =	sshrl.u32 @!p0 s5, $0x3  }
0x57: {  	s0 =	sor.u32 @!p0 $0x1C09, s0;
	[smem:$0x7F0] =	sst s5  }
0x58: {  	[spmem:s5], [sflag:s0] =	dma.local @!p0 [hbm:s16], $0x800  }
0x59: {  	s5 =	simm.s32 @!p0 $0x9  }
0x5a: {  	_ =	swait.ge @!p0 [sflag:s5], $0x800  }
0x5b: {  	[sflag:s5] =	ssyncset.done @!p0 $0x0  }
0x5c: {  	s22 =	rddreg [dreg:$0x1e];
	[sflag:s5] =	ssyncadd.s32 @!p0 $0xFFFFF800  }
0x5d: {  	[spmem:s22], [sflag:s0] =	dma.local @!p0 [hbm:s16], $0x800  }
0x5e: {  	_ =	swait.ge @!p0 [sflag:s5], $0x800  }
0x5f: {  	[sflag:s5] =	ssyncset.done @!p0 $0x0  }
0x60: {  	s22 =	rddreg [dreg:$0x1f];
	[sflag:s5] =	ssyncadd.s32 @!p0 $0xFFFFF800  }
0x61: {  	[spmem:s22], [sflag:s0] =	dma.local @!p0 [hbm:s16], $0x800  }
0x62: {  	_ =	swait.ge @!p0 [sflag:s5], $0x800  }
0x63: {  	s22 =	sld [smem:$0x7F3]  }
0x64: {  	[sflag:s5] =	ssyncset.done @!p0 $0x0  }
0x65: {  	[sflag:s5] =	ssyncadd.s32 @!p0 $0xFFFFF800  }
0x66: {  	[spmem:s22], [sflag:s0] =	dma.local @!p0 [hbm:s16], $0x800  }
0x67: {  	_ =	swait.ge @!p0 [sflag:s5], $0x800  }
0x68: {  	s22 =	sld [smem:$0x7F4]  }
0x69: {  	[sflag:s5] =	ssyncset.done @!p0 $0x0  }
0x6a: {  	[sflag:s5] =	ssyncadd.s32 @!p0 $0xFFFFF800  }
0x6b: {  	[spmem:s22], [sflag:s0] =	dma.local @!p0 [hbm:s16], $0x700  }
0x6c: {  	_ =	swait.ge @!p0 [sflag:s5], $0x700  }
0x6d: {  	s22 =	sshll.u32 s14, $0x6;
	[sflag:s5] =	ssyncset.done @!p0 $0x0;
	s14 =	rddreg [dreg:$0xf]  }
0x6e: {  	[sflag:s5] =	ssyncadd.s32 @!p0 $0xFFFFF900;
	s5 =	sor.u32 $0x1C09, s22;
	s22 =	rddreg [dreg:$0xd]  }
0x6f: {  	s16 =	sshrl.u32 s14, $0x3;
	[smem:$0x7F1] =	sst s5  }
0x70: {  	[smem:$0x7F2] =	sst s16  }
0x71: {  	[spmem:s16], [sflag:s5] =	dma.local [hbm:s22], $0x50  }
0x72: {  	_ =	swait.ge [sflag:s23], $0x50  }
0x73: {  	[sflag:s23] =	ssyncset.done $0x0  }
0x74: {  	[sflag:s23] =	ssyncadd.s32 $0xFFFFFFB0  }
0x75: {  	[bflag:$0x0] =	sbarrier.arrive $0xFFFF  }
0x76: {  	s23 =	rddreg [dreg:$0x12]  }
0x77: {  	[tilespmem:s24], [sflag:$0x1] =	stream.linear.gather [hbm4b:s23+s4], $0x70, $0x38;
	[tilespmem:$0x1B180] =	vst v63  }
0x78: {  	s5 =	rddreg [dreg:$0x13]  }
0x79: {  	[tilespmem:s25], [sflag:$0x1] =	stream.linear.gather [hbm4b:s5+s4], $0x70, $0x38;
	[tilespmem:$0x1B180] =	vst v63  }
0x7a: {  	s16 =	simm.s32 $0x3C00;
	s14 =	rddreg [dreg:$0x10]  }
0x7b: {  	[tilespmem:s16], [sflag:$0x5] =	stream.linear.gather [hbm4b:s14+s4], $0x70, $0x38;
	[tilespmem:$0x1B180] =	vst v63  }
0x7c: {  	s22 =	rddreg [dreg:$0x11];
	s23 =	simm.s32 $0x3C70  }
0x7d: {  	[tilespmem:s23], [sflag:$0x5] =	stream.linear.gather [hbm4b:s22+s4], $0x70, $0x38;
	[tilespmem:$0x1B180] =	vst v63  }
0x7e: {  	_ =	swait.ge [sflag:s26], $0x70  }
0x7f: {  	[sflag:s26] =	ssyncset.done $0x0  }
0x80: {  	[sflag:s26] =	ssyncadd.s32 $0xFFFFFF90  }
0x81: {  	_ =	swait.ge [sflag:s26], $0x70  }
0x82: {  	[sflag:s26] =	ssyncset.done $0x0  }
0x83: {  	[sflag:s26] =	ssyncadd.s32 $0xFFFFFF90  }
0x84: {  	v0 =	vld [tilespmem:$0x180]  }
0x85: {  	v1 =	vld [tilespmem:$0x190]  }
0x86: {  	v2 =	vld [tilespmem:$0x1A0]  }
0x87: {  	v3 =	vld [tilespmem:$0x1B0]  }
0x88: {  	v4 =	vld [tilespmem:$0x1C0]  }
0x89: {  	v42 =	vld [tilespmem:$0x1D0];
	[tilespmem:$0x280] =	vst v0  }
0x8a: {  	v43 =	vld [tilespmem:$0x1E0];
	[tilespmem:$0x290] =	vst v1  }
0x8b: {  	v44 =	vld [tilespmem:$0x1F0];
	[tilespmem:$0x2A0] =	vst v2  }
0x8c: {  	v45 =	vld [tilespmem:$0x200];
	[tilespmem:$0x2B0] =	vst v3  }
0x8d: {  	v46 =	vld [tilespmem:$0x210];
	[tilespmem:$0x2C0] =	vst v4  }
0x8e: {  	v47 =	vld [tilespmem:$0x220];
	[tilespmem:$0x2D0] =	vst v42  }
0x8f: {  	v48 =	vld [tilespmem:$0x230];
	[tilespmem:$0x2E0] =	vst v43  }
0x90: {  	v49 =	vld [tilespmem:$0x240];
	[tilespmem:$0x300] =	vst v44  }
0x91: {  	v50 =	vld [tilespmem:$0x250];
	[tilespmem:$0x310] =	vst v45  }
0x92: {  	[tilespmem:$0x320] =	vst v46  }
0x93: {  	[tilespmem:$0x330] =	vst v47  }
0x94: {  	[tilespmem:$0x340] =	vst v48  }
0x95: {  	[tilespmem:$0x350] =	vst v49  }
0x96: {  	p1 =	por $0x1, $0x1;
	[tilespmem:$0x360] =	vst v50  }
0x97: {  	[tilespmem:s30], [sflag:$0x2] =	stream.indirect.gather [hbm4b:s1+s28], $0x80, s29, s28, $0xb8;
	[tilespmem:$0x1B180] =	vst v63  }
0x98: {  	s5 =	simm.s32 @!p1 $0x8  }
0x99: {  	[tilespmem:s31], [sflag:$0x3] =	stream.indirect.gather [hbm4b:s6+s28], $0x1, s29, s28, $0xb8;
	[tilespmem:$0x1B180] =	vst v63  }
0x9a: {  	_ =	swait.ge @!p1 [sflag:s5], $0x3800  }
0x9b: {  	[sflag:s5] =	ssyncset.done @!p1 $0x0  }
0x9c: {  	[sflag:s5] =	ssyncadd.s32 @!p1 $0xFFFFC800  }
0x9d: {  	_ =	swait.ge @!p1 [sflag:s5], $0x70  }
0x9e: {  	[sflag:s5] =	ssyncset.done @!p1 $0x0  }
0x9f: {  	[sflag:s5] =	ssyncadd.s32 @!p1 $0xFFFFFF90  }
0xa0: {  	_ =	swait.ge [sflag:s9], $0x70  }
0xa1: {  	[sflag:s9] =	ssyncset.done $0x0  }
0xa2: {  	[sflag:s9] =	ssyncadd.s32 $0xFFFFFF90  }
0xa3: {  	_ =	swait.ge [sflag:s9], $0x70  }
0xa4: {  	[sflag:s9] =	ssyncset.done $0x0  }
0xa5: {  	[sflag:s9] =	ssyncadd.s32 $0xFFFFFF90  }
0xa6: {  	v51 =	vld [tilespmem:$0x3CD0]  }
0xa7: {  	v52 =	vld [tilespmem:$0x3CB0]  }
0xa8: {  	v53 =	vld [tilespmem:$0x3C20]  }
0xa9: {  	v54 =	vld [tilespmem:$0x3C90]  }
0xaa: {  	v55 =	vld [tilespmem:$0x3CA0]  }
0xab: {  	v5 =	vld [tilespmem:$0x3C70];
	[tilespmem:$0x3DE0] =	vst v51  }
0xac: {  	v56 =	vld [tilespmem:$0x3C80];
	[tilespmem:$0x3DC0] =	vst v52  }
0xad: {  	v57 =	vld [tilespmem:$0x3C50];
	[tilespmem:$0x3D20] =	vst v53  }
0xae: {  	v58 =	vld [tilespmem:$0x3C60];
	[tilespmem:$0x3DA0] =	vst v54  }
0xaf: {  	v59 =	vld [tilespmem:$0x3C30];
	[tilespmem:$0x3DB0] =	vst v55  }
0xb0: {  	v60 =	vld [tilespmem:$0x3C40];
	[tilespmem:$0x3D80] =	vst v5  }
0xb1: {  	v61 =	vld [tilespmem:$0x3C00];
	[tilespmem:$0x3D90] =	vst v56  }
0xb2: {  	v62 =	vld [tilespmem:$0x3CC0];
	[tilespmem:$0x3D50] =	vst v57  }
0xb3: {  	v63 =	vld [tilespmem:$0x3C10];
	[tilespmem:$0x3D60] =	vst v58  }
0xb4: {  	[tilespmem:$0x3D30] =	vst v59  }
0xb5: {  	[tilespmem:$0x3D40] =	vst v60  }
0xb6: {  	[tilespmem:$0x3D00] =	vst v61  }
0xb7: {  	[tilespmem:$0x3DD0] =	vst v62  }
0xb8: {  	s22 =	rddreg [dreg:$0x1d];
	[tilespmem:$0x3D10] =	vst v63  }
0xb9: {  	[tilespmem:s11], [sflag:$0x6] =	stream.indirect.gather [hbm4b:s1+s28], $0x80, s10, s28, $0xb8;
	[tilespmem:$0x1B180] =	vst v63  }
0xba: {  	s14 =	sshrl.u32 s22, $0x3  }
0xbb: {  	[tilespmem:s12], [sflag:$0x7] =	stream.indirect.gather [hbm4b:s6+s28], $0x1, s10, s28, $0xb8;
	[tilespmem:$0x1B180] =	vst v63  }
0xbc: {  	s23 =	sadd.s32 s7, s14  }
0xbd: {  	[tilespmem:s24], [sflag:$0x1] =	stream.linear.gather [hbm4b:s23+s4], $0x70, $0x38;
	[tilespmem:$0x1B180] =	vst v63  }
0xbe: {  	s5 =	sadd.s32 s8, s14  }
0xbf: {  	[tilespmem:s25], [sflag:$0x1] =	stream.linear.gather [hbm4b:s5+s4], $0x70, $0x38;
	[tilespmem:$0x1B180] =	vst v63  }
0xc0: {  	_ =	swait.ge [sflag:s13], $0x3800  }
0xc1: {  	[sflag:s13] =	ssyncset.done $0x0  }
0xc2: {  	[sflag:s13] =	ssyncadd.s32 $0xFFFFC800  }
0xc3: {  	_ =	swait.ge [sflag:s15], $0x70  }
0xc4: {  	[sflag:s15] =	ssyncset.done $0x0  }
0xc5: {  	[sflag:s15] =	ssyncadd.s32 $0xFFFFFF90  }
0xc6: {  	[spmem:s2] =	stream.indirect.scatter.add.f32 [tilespmem:s30], [sflag:$0x4], $0x80, s17, s28, $0xb8;
	[tilespmem:$0x1B180] =	vst v63  }
0xc7: {  	_ = 	snop  }
0xc8: {  	[spmem:s3] =	stream.indirect.scatter.add.f32 [tilespmem:s31], [sflag:$0x4], $0x1, s17, s28, $0xb8;
	[tilespmem:$0x1B180] =	vst v63  }
0xc9: {  	_ =	swait.ge [sflag:s18], $0x3800  }
0xca: {  	[sflag:s18] =	ssyncset.done $0x0  }
0xcb: {  	[sflag:s18] =	ssyncadd.s32 $0xFFFFC800  }
0xcc: {  	_ =	swait.ge [sflag:s18], $0x70  }
0xcd: {  	[sflag:s18] =	ssyncset.done $0x0  }
0xce: {  	[sflag:s18] =	ssyncadd.s32 $0xFFFFFF90  }
0xcf: {  	_ =	swait.ge [sflag:s26], $0x70  }
0xd0: {  	[sflag:s26] =	ssyncset.done $0x0  }
0xd1: {  	[sflag:s26] =	ssyncadd.s32 $0xFFFFFF90  }
0xd2: {  	_ =	swait.ge [sflag:s26], $0x70  }
0xd3: {  	[sflag:s26] =	ssyncset.done $0x0  }
0xd4: {  	s23 =	simm.s32 $0x0;
	s5 =	simm.s32 $0x1C;
	[sflag:s26] =	ssyncadd.s32 $0xFFFFFF90  }
.LBB2_2:
0xd5: {  	v0 =	vld [tilespmem:$0x250]  }
0xd6: {  	v1 =	vld [tilespmem:$0x240]  }
0xd7: {  	v2 =	vld [tilespmem:$0x230]  }
0xd8: {  	v3 =	vld [tilespmem:$0x220]  }
0xd9: {  	v4 =	vld [tilespmem:$0x210]  }
0xda: {  	v5 =	vld [tilespmem:$0x200];
	[tilespmem:$0x360] =	vst v0  }
0xdb: {  	v42 =	vld [tilespmem:$0x1F0];
	[tilespmem:$0x350] =	vst v1  }
0xdc: {  	v43 =	vld [tilespmem:$0x1E0];
	[tilespmem:$0x340] =	vst v2  }
0xdd: {  	v44 =	vld [tilespmem:$0x1D0];
	[tilespmem:$0x330] =	vst v3  }
0xde: {  	v45 =	vld [tilespmem:$0x1C0];
	[tilespmem:$0x320] =	vst v4  }
0xdf: {  	v46 =	vld [tilespmem:$0x1B0];
	[tilespmem:$0x310] =	vst v5  }
0xe0: {  	v47 =	vld [tilespmem:$0x1A0];
	[tilespmem:$0x300] =	vst v42  }
0xe1: {  	v48 =	vld [tilespmem:$0x190];
	[tilespmem:$0x2E0] =	vst v43  }
0xe2: {  	v49 =	vld [tilespmem:$0x180];
	[tilespmem:$0x2D0] =	vst v44  }
0xe3: {  	[tilespmem:$0x2C0] =	vst v45  }
0xe4: {  	[tilespmem:$0x2B0] =	vst v46  }
0xe5: {  	[tilespmem:$0x2A0] =	vst v47  }
0xe6: {  	[tilespmem:$0x290] =	vst v48  }
0xe7: {  	s14 =	rddreg [dreg:$0x6];
	[tilespmem:$0x280] =	vst v49  }
0xe8: {  	[tilespmem:s30], [sflag:$0x2] =	stream.indirect.gather [hbm4b:s1+s28], $0x80, s29, s28, $0xb8;
	[tilespmem:$0x1B180] =	vst v63  }
0xe9: {  	p2 =	seq.s32 s23, $0x4B4;
	s0 =	rddreg [dreg:$0x5]  }
0xea: {  	[tilespmem:s31], [sflag:$0x3] =	stream.indirect.gather [hbm4b:s6+s28], $0x1, s29, s28, $0xb8;
	[tilespmem:$0x1B180] =	vst v63  }
0xeb: {  	s14 =	sadd.s32 @!p2 s23, s14;
	s24 =	simm.s32 @!p2 $0x0;
	s25 =	simm.s32 @!p2 $0x3C00  }
0xec: {  	[tilespmem:s25], [sflag:$0x5] =	stream.linear.gather @!p2 [hbm4b:s14+s24], $0x70, $0x38;
	[tilespmem:$0x1B180] =	vst v63  }
0xed: {  	s0 =	sadd.s32 @!p2 s23, s0;
	s14 =	simm.s32 @!p2 $0x3C70  }
0xee: {  	[tilespmem:s14], [sflag:$0x5] =	stream.linear.gather @!p2 [hbm4b:s0+s24], $0x70, $0x38;
	[tilespmem:$0x1B180] =	vst v63  }
0xef: {  	_ =	swait.ge [sflag:s19], $0x3800  }
0xf0: {  	[sflag:s19] =	ssyncset.done $0x0  }
0xf1: {  	[sflag:s19] =	ssyncadd.s32 $0xFFFFC800  }
0xf2: {  	s16 =	smov.u32 s5;
	_ =	swait.ge [sflag:s20], $0x70  }
0xf3: {  	s23 =	smov.u32 s16;
	[sflag:s20] =	ssyncset.done $0x0  }
0xf4: {  	p2 =	seq.s32 s23, $0x0;
	[sflag:s20] =	ssyncadd.s32 $0xFFFFFF90  }
0xf5: {  	[spmem:s2] =	stream.indirect.scatter.add.f32 [tilespmem:s11], [sflag:$0x8], $0x80, s21, s28, $0xb8;
	[tilespmem:$0x1B180] =	vst v63  }
0xf6: {  	s0 =	simm.s32 @!p2 $0x8  }
0xf7: {  	[spmem:s3] =	stream.indirect.scatter.add.f32 [tilespmem:s12], [sflag:$0x8], $0x1, s21, s28, $0xb8;
	[tilespmem:$0x1B180] =	vst v63  }
0xf8: {  	_ =	swait.ge @!p2 [sflag:s0], $0x3800  }
0xf9: {  	[sflag:s0] =	ssyncset.done @!p2 $0x0  }
0xfa: {  	[sflag:s0] =	ssyncadd.s32 @!p2 $0xFFFFC800  }
0xfb: {  	_ =	swait.ge @!p2 [sflag:s0], $0x70  }
0xfc: {  	[sflag:s0] =	ssyncset.done @!p2 $0x0  }
0xfd: {  	[sflag:s0] =	ssyncadd.s32 @!p2 $0xFFFFFF90  }
0xfe: {  	_ =	swait.ge [sflag:s9], $0x70  }
0xff: {  	[sflag:s9] =	ssyncset.done $0x0  }
0x100: {  	[sflag:s9] =	ssyncadd.s32 $0xFFFFFF90  }
0x101: {  	_ =	swait.ge [sflag:s9], $0x70  }
0x102: {  	[sflag:s9] =	ssyncset.done $0x0  }
0x103: {  	[sflag:s9] =	ssyncadd.s32 $0xFFFFFF90  }
0x104: {  	v50 =	vld [tilespmem:$0x3CD0]  }
0x105: {  	v51 =	vld [tilespmem:$0x3CB0]  }
0x106: {  	v52 =	vld [tilespmem:$0x3C20]  }
0x107: {  	v53 =	vld [tilespmem:$0x3C90]  }
0x108: {  	v54 =	vld [tilespmem:$0x3CA0]  }
0x109: {  	v55 =	vld [tilespmem:$0x3C70];
	[tilespmem:$0x3DE0] =	vst v50  }
0x10a: {  	v56 =	vld [tilespmem:$0x3C80];
	[tilespmem:$0x3DC0] =	vst v51  }
0x10b: {  	v57 =	vld [tilespmem:$0x3C50];
	[tilespmem:$0x3D20] =	vst v52  }
0x10c: {  	v58 =	vld [tilespmem:$0x3C60];
	[tilespmem:$0x3DA0] =	vst v53  }
0x10d: {  	v59 =	vld [tilespmem:$0x3C30];
	[tilespmem:$0x3DB0] =	vst v54  }
0x10e: {  	v60 =	vld [tilespmem:$0x3C40];
	[tilespmem:$0x3D80] =	vst v55  }
0x10f: {  	v61 =	vld [tilespmem:$0x3C00];
	[tilespmem:$0x3D90] =	vst v56  }
0x110: {  	v62 =	vld [tilespmem:$0x3CC0];
	[tilespmem:$0x3D50] =	vst v57  }
0x111: {  	v63 =	vld [tilespmem:$0x3C10];
	[tilespmem:$0x3D60] =	vst v58  }
0x112: {  	[tilespmem:$0x3D30] =	vst v59  }
0x113: {  	[tilespmem:$0x3D40] =	vst v60  }
0x114: {  	[tilespmem:$0x3D00] =	vst v61  }
0x115: {  	[tilespmem:$0x3DD0] =	vst v62  }
0x116: {  	s22 =	sadd.s32 $0xE0, s22;
	[tilespmem:$0x3D10] =	vst v63  }
0x117: {  	[tilespmem:s11], [sflag:$0x6] =	stream.indirect.gather [hbm4b:s1+s28], $0x80, s10, s28, $0xb8;
	[tilespmem:$0x1B180] =	vst v63  }
0x118: {  	s0 =	sshrl.u32 s22, $0x3  }
0x119: {  	[tilespmem:s12], [sflag:$0x7] =	stream.indirect.gather [hbm4b:s6+s28], $0x1, s10, s28, $0xb8;
	[tilespmem:$0x1B180] =	vst v63  }
0x11a: {  	s24 =	simm.s32 $0x180;
	s16 =	sadd.s32 s7, s0  }
0x11b: {  	[tilespmem:s24], [sflag:$0x1] =	stream.linear.gather [hbm4b:s16+s4], $0x70, $0x38;
	[tilespmem:$0x1B180] =	vst v63  }
0x11c: {  	s25 =	simm.s32 $0x1F0;
	s0 =	sadd.s32 s8, s0  }
0x11d: {  	[tilespmem:s25], [sflag:$0x1] =	stream.linear.gather [hbm4b:s0+s4], $0x70, $0x38;
	[tilespmem:$0x1B180] =	vst v63  }
0x11e: {  	_ =	swait.ge [sflag:s13], $0x3800  }
0x11f: {  	[sflag:s13] =	ssyncset.done $0x0  }
0x120: {  	[sflag:s13] =	ssyncadd.s32 $0xFFFFC800  }
0x121: {  	_ =	swait.ge [sflag:s15], $0x70  }
0x122: {  	[sflag:s15] =	ssyncset.done $0x0  }
0x123: {  	[sflag:s15] =	ssyncadd.s32 $0xFFFFFF90  }
0x124: {  	[spmem:s2] =	stream.indirect.scatter.add.f32 [tilespmem:s30], [sflag:$0x4], $0x80, s17, s28, $0xb8;
	[tilespmem:$0x1B180] =	vst v63  }
0x125: {  	_ = 	snop  }
0x126: {  	[spmem:s3] =	stream.indirect.scatter.add.f32 [tilespmem:s31], [sflag:$0x4], $0x1, s17, s28, $0xb8;
	[tilespmem:$0x1B180] =	vst v63  }
0x127: {  	_ =	swait.ge [sflag:s18], $0x3800  }
0x128: {  	[sflag:s18] =	ssyncset.done $0x0  }
0x129: {  	[sflag:s18] =	ssyncadd.s32 $0xFFFFC800  }
0x12a: {  	_ =	swait.ge [sflag:s18], $0x70  }
0x12b: {  	[sflag:s18] =	ssyncset.done $0x0  }
0x12c: {  	s5 =	sadd.s32 $0x1C, s5;
	[sflag:s18] =	ssyncadd.s32 $0xFFFFFF90  }
0x12d: {  	p1 =	sne.s32 s5, $0x4D0;
	_ =	swait.ge [sflag:s26], $0x70  }
.Ltmp0:
0x12e: {  	[sflag:s26] =	ssyncset.done $0x0;
	(pc) =	sbr.rel @p1 .LBB2_2-.Ltmp0, $4  }
0x12f: {  	[sflag:s26] =	ssyncadd.s32 $0xFFFFFF90  }
0x130: {  	_ =	swait.ge [sflag:s26], $0x70  }
0x131: {  	[sflag:s26] =	ssyncset.done $0x0  }
0x132: {  	[sflag:s26] =	ssyncadd.s32 $0xFFFFFF90  }
0x133: {  	v0 =	vld [tilespmem:$0x250]  }
0x134: {  	v1 =	vld [tilespmem:$0x240]  }
0x135: {  	v2 =	vld [tilespmem:$0x230]  }
0x136: {  	v3 =	vld [tilespmem:$0x220]  }
0x137: {  	v4 =	vld [tilespmem:$0x210]  }
0x138: {  	v5 =	vld [tilespmem:$0x200];
	[tilespmem:$0x360] =	vst v0  }
0x139: {  	v52 =	vld [tilespmem:$0x1F0];
	[tilespmem:$0x350] =	vst v1  }
0x13a: {  	v53 =	vld [tilespmem:$0x1E0];
	[tilespmem:$0x340] =	vst v2  }
0x13b: {  	v54 =	vld [tilespmem:$0x1D0];
	[tilespmem:$0x330] =	vst v3  }
0x13c: {  	v55 =	vld [tilespmem:$0x1C0];
	[tilespmem:$0x320] =	vst v4  }
0x13d: {  	v56 =	vld [tilespmem:$0x1B0];
	[tilespmem:$0x310] =	vst v5  }
0x13e: {  	v57 =	vld [tilespmem:$0x1A0];
	[tilespmem:$0x300] =	vst v52  }
0x13f: {  	v58 =	vld [tilespmem:$0x190];
	[tilespmem:$0x2E0] =	vst v53  }
0x140: {  	v59 =	vld [tilespmem:$0x180];
	[tilespmem:$0x2D0] =	vst v54  }
0x141: {  	[tilespmem:$0x2C0] =	vst v55  }
0x142: {  	[tilespmem:$0x2B0] =	vst v56  }
0x143: {  	[tilespmem:$0x2A0] =	vst v57  }
0x144: {  	[tilespmem:$0x290] =	vst v58  }
0x145: {  	s0 =	rddreg [dreg:$0x6];
	[tilespmem:$0x280] =	vst v59  }
0x146: {  	[tilespmem:s30], [sflag:$0x2] =	stream.indirect.gather [hbm4b:s1+s28], $0x80, s29, s28, $0xb8;
	[tilespmem:$0x1B180] =	vst v63  }
0x147: {  	p1 =	seq.s32 s23, $0x4B4;
	s5 =	rddreg [dreg:$0x5]  }
0x148: {  	[tilespmem:s31], [sflag:$0x3] =	stream.indirect.gather [hbm4b:s6+s28], $0x1, s29, s28, $0xb8;
	[tilespmem:$0x1B180] =	vst v63  }
0x149: {  	s0 =	sadd.s32 @!p1 s23, s0;
	s14 =	simm.s32 @!p1 $0x0;
	s16 =	simm.s32 @!p1 $0x3C00  }
0x14a: {  	[tilespmem:s16], [sflag:$0x5] =	stream.linear.gather @!p1 [hbm4b:s0+s14], $0x70, $0x38;
	[tilespmem:$0x1B180] =	vst v63  }
0x14b: {  	s0 =	sadd.s32 @!p1 s23, s5;
	s5 =	simm.s32 @!p1 $0x3C70  }
0x14c: {  	[tilespmem:s5], [sflag:$0x5] =	stream.linear.gather @!p1 [hbm4b:s0+s14], $0x70, $0x38;
	[tilespmem:$0x1B180] =	vst v63  }
0x14d: {  	_ =	swait.ge [sflag:s19], $0x3800  }
0x14e: {  	[sflag:s19] =	ssyncset.done $0x0  }
0x14f: {  	[sflag:s19] =	ssyncadd.s32 $0xFFFFC800  }
0x150: {  	_ =	swait.ge [sflag:s20], $0x70  }
0x151: {  	[sflag:s20] =	ssyncset.done $0x0  }
0x152: {  	[sflag:s20] =	ssyncadd.s32 $0xFFFFFF90  }
0x153: {  	[spmem:s2] =	stream.indirect.scatter.add.f32 [tilespmem:s11], [sflag:$0x8], $0x80, s21, s28, $0xb8;
	[tilespmem:$0x1B180] =	vst v63  }
0x154: {  	s5 =	simm.s32 $0x8  }
0x155: {  	[spmem:s3] =	stream.indirect.scatter.add.f32 [tilespmem:s12], [sflag:$0x8], $0x1, s21, s28, $0xb8;
	[tilespmem:$0x1B180] =	vst v63  }
0x156: {  	_ =	swait.ge [sflag:s5], $0x3800  }
0x157: {  	[sflag:s5] =	ssyncset.done $0x0  }
0x158: {  	[sflag:s5] =	ssyncadd.s32 $0xFFFFC800  }
0x159: {  	_ =	swait.ge [sflag:s5], $0x70  }
0x15a: {  	[sflag:s5] =	ssyncset.done $0x0  }
0x15b: {  	[sflag:s5] =	ssyncadd.s32 $0xFFFFFF90  }
0x15c: {  	_ =	swait.ge [sflag:s13], $0x3800  }
0x15d: {  	[sflag:s13] =	ssyncset.done $0x0  }
0x15e: {  	[sflag:s13] =	ssyncadd.s32 $0xFFFFC800  }
0x15f: {  	_ =	swait.ge [sflag:s15], $0x70  }
0x160: {  	[sflag:s15] =	ssyncset.done $0x0  }
0x161: {  	[sflag:s15] =	ssyncadd.s32 $0xFFFFFF90  }
0x162: {  	[spmem:s2] =	stream.indirect.scatter.add.f32 [tilespmem:s30], [sflag:$0x4], $0x80, s17, s28, $0xb8;
	[tilespmem:$0x1B180] =	vst v63  }
0x163: {  	_ = 	snop  }
0x164: {  	[spmem:s3] =	stream.indirect.scatter.add.f32 [tilespmem:s31], [sflag:$0x4], $0x1, s17, s28, $0xb8;
	[tilespmem:$0x1B180] =	vst v63  }
0x165: {  	s23 =	simm.s32 $0x100;
	s22 =	rddreg [dreg:$0x14]  }
0x166: {  	[tilespmem:s23], [sflag:$0x9] =	stream.linear.gather [hbm4b:s22+s4], $0x20, $0x38;
	[tilespmem:$0x1B180] =	vst v63  }
0x167: {  	s23 =	simm.s32 $0x9  }
0x168: {  	_ =	swait.ge [sflag:s23], $0x20  }
0x169: {  	[sflag:s23] =	ssyncset.done $0x0  }
0x16a: {  	s22 =	simm.s32 $0x120;
	s16 =	rddreg [dreg:$0x15];
	[sflag:s23] =	ssyncadd.s32 $0xFFFFFFE0  }
0x16b: {  	[tilespmem:s22], [sflag:$0x9] =	stream.linear.gather [hbm4b:s16+s4], $0x20, $0x38;
	[tilespmem:$0x1B180] =	vst v63  }
0x16c: {  	_ =	swait.ge [sflag:s23], $0x20  }
0x16d: {  	[sflag:s23] =	ssyncset.done $0x0  }
0x16e: {  	[sflag:s23] =	ssyncadd.s32 $0xFFFFFFE0  }
0x16f: {  	v60 =	vld [tilespmem:$0x100]  }
0x170: {  	v61 =	vld [tilespmem:$0x110]  }
0x171: {  	v62 =	vld [tilespmem:$0x120]  }
0x172: {  	v63 =	vld [tilespmem:$0x130];
	_ =	sdelay $0x1  }
0x173: {  	[tilespmem:$0x0] =	vst v60  }
0x174: {  	[tilespmem:$0x10] =	vst v61  }
0x175: {  	[tilespmem:$0x80] =	vst v62  }
0x176: {  	s16 =	simm.s32 $0x20;
	[tilespmem:$0x90] =	vst v63  }
0x177: {  	[tilespmem:s11], [sflag:$0x6] =	stream.indirect.gather [hbm4b:s1+s16], $0x80, s4, s16, $0xb8;
	[tilespmem:$0x1B180] =	vst v63  }
0x178: {  	_ = 	snop  }
0x179: {  	[tilespmem:s12], [sflag:$0x7] =	stream.indirect.gather [hbm4b:s6+s16], $0x1, s4, s16, $0xb8;
	[tilespmem:$0x1B180] =	vst v63  }
0x17a: {  	_ =	swait.ge [sflag:s19], $0x1000  }
0x17b: {  	[sflag:s19] =	ssyncset.done $0x0  }
0x17c: {  	[sflag:s19] =	ssyncadd.s32 $0xFFFFF000  }
0x17d: {  	_ =	swait.ge [sflag:s20], $0x20  }
0x17e: {  	[sflag:s20] =	ssyncset.done $0x0  }
0x17f: {  	s14 =	simm.s32 $0x80;
	[sflag:s20] =	ssyncadd.s32 $0xFFFFFFE0  }
0x180: {  	[spmem:s2] =	stream.indirect.scatter.add.f32 [tilespmem:s11], [sflag:$0x8], $0x80, s14, s16, $0xb8;
	[tilespmem:$0x1B180] =	vst v63  }
0x181: {  	_ = 	snop  }
0x182: {  	[spmem:s3] =	stream.indirect.scatter.add.f32 [tilespmem:s12], [sflag:$0x8], $0x1, s14, s16, $0xb8;
	[tilespmem:$0x1B180] =	vst v63  }
0x183: {  	_ =	swait.ge [sflag:s5], $0x1000  }
0x184: {  	[sflag:s5] =	ssyncset.done $0x0  }
0x185: {  	[sflag:s5] =	ssyncadd.s32 $0xFFFFF000  }
0x186: {  	_ =	swait.ge [sflag:s5], $0x20  }
0x187: {  	[sflag:s5] =	ssyncset.done $0x0  }
0x188: {  	[sflag:s5] =	ssyncadd.s32 $0xFFFFFFE0  }
0x189: {  	_ =	swait.ge [sflag:s18], $0x3800  }
0x18a: {  	[sflag:s18] =	ssyncset.done $0x0  }
0x18b: {  	[sflag:s18] =	ssyncadd.s32 $0xFFFFC800  }
0x18c: {  	_ =	swait.ge [sflag:s18], $0x70  }
0x18d: {  	[sflag:s18] =	ssyncset.done $0x0  }
0x18e: {  	[sflag:s18] =	ssyncadd.s32 $0xFFFFFF90  }
0x18f: {  	[bflag:$0x0] =	sbarrier.arrive $0xFFFF  }
0x190: {  	s5 =	sld [smem:$0x7EB]  }
0x191: {  	s22 =	sld [smem:$0x7F1];
	_ =	sdelay $0x1  }
0x192: {  	s0 =	rddreg [dreg:$0x16]  }
0x193: {  	[hbm:s0], [sflag:s22] =	dma.local @p0 [spmem:s5], $0x800  }
0x194: {  	s0 =	simm.s32 @p0 $0x9  }
0x195: {  	_ =	swait.ge @p0 [sflag:s0], $0x800  }
0x196: {  	s14 =	sld [smem:$0x7EC]  }
0x197: {  	[sflag:s0] =	ssyncset.done @p0 $0x0  }
0x198: {  	s5 =	rddreg [dreg:$0x17];
	[sflag:s0] =	ssyncadd.s32 @p0 $0xFFFFF800  }
0x199: {  	[hbm:s5], [sflag:s22] =	dma.local @p0 [spmem:s14], $0x800  }
0x19a: {  	_ =	swait.ge @p0 [sflag:s0], $0x800  }
0x19b: {  	s14 =	sld [smem:$0x7ED]  }
0x19c: {  	[sflag:s0] =	ssyncset.done @p0 $0x0  }
0x19d: {  	s5 =	rddreg [dreg:$0x18];
	[sflag:s0] =	ssyncadd.s32 @p0 $0xFFFFF800  }
0x19e: {  	[hbm:s5], [sflag:s22] =	dma.local @p0 [spmem:s14], $0x800  }
0x19f: {  	_ =	swait.ge @p0 [sflag:s0], $0x800  }
0x1a0: {  	s14 =	sld [smem:$0x7EE]  }
0x1a1: {  	[sflag:s0] =	ssyncset.done @p0 $0x0  }
0x1a2: {  	s5 =	rddreg [dreg:$0x19];
	[sflag:s0] =	ssyncadd.s32 @p0 $0xFFFFF800  }
0x1a3: {  	[hbm:s5], [sflag:s22] =	dma.local @p0 [spmem:s14], $0x800  }
0x1a4: {  	_ =	swait.ge @p0 [sflag:s0], $0x800  }
0x1a5: {  	s14 =	sld [smem:$0x7EF]  }
0x1a6: {  	[sflag:s0] =	ssyncset.done @p0 $0x0  }
0x1a7: {  	s5 =	rddreg [dreg:$0x1a];
	[sflag:s0] =	ssyncadd.s32 @p0 $0xFFFFF800  }
0x1a8: {  	[hbm:s5], [sflag:s22] =	dma.local @p0 [spmem:s14], $0x800  }
0x1a9: {  	_ =	swait.ge @p0 [sflag:s0], $0x800  }
0x1aa: {  	s5 =	sld [smem:$0x7F0]  }
0x1ab: {  	[sflag:s0] =	ssyncset.done @p0 $0x0  }
0x1ac: {  	[sflag:s0] =	ssyncadd.s32 @p0 $0xFFFFF800;
	s0 =	rddreg [dreg:$0x7]  }
0x1ad: {  	[hbm:s0], [sflag:s22] =	dma.local @!p0 [spmem:s5], $0x800  }
0x1ae: {  	s0 =	simm.s32 @!p0 $0x9  }
0x1af: {  	_ =	swait.ge @!p0 [sflag:s0], $0x800  }
0x1b0: {  	s14 =	sld [smem:$0x7F5]  }
0x1b1: {  	[sflag:s0] =	ssyncset.done @!p0 $0x0  }
0x1b2: {  	s5 =	rddreg [dreg:$0x8];
	[sflag:s0] =	ssyncadd.s32 @!p0 $0xFFFFF800  }
0x1b3: {  	[hbm:s5], [sflag:s22] =	dma.local @!p0 [spmem:s14], $0x800  }
0x1b4: {  	_ =	swait.ge @!p0 [sflag:s0], $0x800  }
0x1b5: {  	s14 =	sld [smem:$0x7F6]  }
0x1b6: {  	[sflag:s0] =	ssyncset.done @!p0 $0x0  }
0x1b7: {  	s5 =	rddreg [dreg:$0x9];
	[sflag:s0] =	ssyncadd.s32 @!p0 $0xFFFFF800  }
0x1b8: {  	[hbm:s5], [sflag:s22] =	dma.local @!p0 [spmem:s14], $0x800  }
0x1b9: {  	_ =	swait.ge @!p0 [sflag:s0], $0x800  }
0x1ba: {  	s14 =	sld [smem:$0x7F9]  }
0x1bb: {  	[sflag:s0] =	ssyncset.done @!p0 $0x0  }
0x1bc: {  	s5 =	rddreg [dreg:$0xa];
	[sflag:s0] =	ssyncadd.s32 @!p0 $0xFFFFF800  }
0x1bd: {  	[hbm:s5], [sflag:s22] =	dma.local @!p0 [spmem:s14], $0x800  }
0x1be: {  	_ =	swait.ge @!p0 [sflag:s0], $0x800  }
0x1bf: {  	s14 =	sld [smem:$0x7FC]  }
0x1c0: {  	[sflag:s0] =	ssyncset.done @!p0 $0x0  }
0x1c1: {  	s5 =	rddreg [dreg:$0xb];
	[sflag:s0] =	ssyncadd.s32 @!p0 $0xFFFFF800  }
0x1c2: {  	[hbm:s5], [sflag:s22] =	dma.local @!p0 [spmem:s14], $0x700  }
0x1c3: {  	_ =	swait.ge @!p0 [sflag:s0], $0x700  }
0x1c4: {  	s14 =	sld [smem:$0x7F2]  }
0x1c5: {  	[sflag:s0] =	ssyncset.done @!p0 $0x0  }
0x1c6: {  	s5 =	simm.s32 $0x10;
	[sflag:s0] =	ssyncadd.s32 @!p0 $0xFFFFF900;
	s0 =	rddreg [dreg:$0x1b]  }
0x1c7: {  	[hbm:s0@s16], [sflag:s22] =	dma.strided [spmem:s14@s5], $0x50, s26, $0x10   }
0x1c8: {  	_ =	swait.ge [sflag:s23], $0x50  }
0x1c9: {  	s16 =	sld [smem:$0x7EA];
	_ =	sdelay $0x2  }
0x1ca: {  	s22 =	rddreg [dreg:$0x1c];
	s5 =	sadd.s32 $0x1, s16  }
0x1cb: {  	p1 =	sne.s32 s5, s22  }
.Ltmp1:
0x1cc: {  	_ = 	snop;
	(pc) =	sbr.rel @p1 .LBB2_1-.Ltmp1, $3  }
0x1cd: {  	_ =	sdelay $0x1  }
0x1ce: {  	[sflag:s23] =	ssyncset.done $0x0  }
0x1cf: {  	[sflag:s23] =	ssyncadd.s32 $0xFFFFFFB0  }
0x1d0: {  	_ =	sfence.sel $0x180000  }
0x1d1: {  	[bflag:$0x0] =	sbarrier.arrive $0xFFFF  }
0x1d2: {  	_ =	strace $0x90000047  }
0x1d3: {  	s0 =	stileid.u32;
	[bflag:$0x2] =	sbarrier.arrive $0xFFFF  }
0x1d4: {  	p0 =	sne.s32 s0, $0x0;
	s0 =	rddreg [dreg:$0x4]  }
0x1d5: {  	s0 =	sadd.s32 @!p0 $0x100000, s0  }
0x1d6: {  	[sflag:s0] =	ssyncadd.tile.s32 @!p0 $0x1;
	_ =	shalt  }
.Lfunc_end2:
_tile_overlayer_lowered:
.L_overlay_start_2:
0x1d7: {  	(tag) =	ssettag $0x2  }
0x1d8: {  	s0 =	rddreg [dreg:$0x0];
	s2 =	stileid.u32  }
0x1d9: {  	s1 =	rddreg [dreg:$0x1];
	p0 =	sne.s32 s2, $0x0  }
0x1da: {  	s3 =	rddreg [dreg:$0x2];
	[bflag:$0x3] =	sbarrier.arrive $0xFFFF;
	s2 =	simm.s32 @!p0 $0x1C09  }
0x1db: {  	[timem:s3], [sflag:s2] =	dma.local @!p0 [hbm:s0], s1  }
0x1dc: {  	s0 =	simm.s32 @!p0 $0x9  }
0x1dd: {  	_ =	swait.ge @!p0 [sflag:s0], s1  }
0x1de: {  	s1 =	ssub.s32 @!p0 $0x0, s1;
	[sflag:s0] =	ssyncset.done @!p0 $0x0  }
0x1df: {  	[sflag:s0] =	ssyncadd.s32 @!p0 s1  }
0x1e0: {  	[bflag:$0x3] =	sbarrier.arrive $0xFFFF  }
0x1e1: {  	_ =	shalt  }

</sc_bundles>
